<compile_context>
chip_gen: v7x
topology: tpu7x:2x2x1
jax: 0.10.2.dev20260603
libtpu: 0.0.44.dev20260713+nightly
codegen_flags: <defaults>
</compile_context>

<pallas_src>
import functools

import jax
import jax.numpy as jnp
from jax import lax
from jax.experimental import pallas as pl
from jax.experimental.pallas import tpu as pltpu
from jax.experimental.pallas import tpu_sc as plsc

T = 10000
D = 128
M = 160000
NT = 16
NC = 2
EPT = M // NT
CH = 128
NCHUNK = (EPT + CH - 1) // CH
EPAD = NCHUNK * CH
SLAB = 624


def _mp_body(xt_hbm, no_hbm, ni_hbm, a_hbm, out_hbm,
             no_v, ni_v, a_v, rows_v, acc_sh, sem):
    c = lax.axis_index("c")
    s = lax.axis_index("s")

    pltpu.sync_copy(no_hbm.at[s], no_v)
    pltpu.sync_copy(ni_hbm.at[s], ni_v)
    pltpu.sync_copy(a_hbm.at[s], a_v)

    coff = c * T

    def _off(i, _):
        v = no_v[pl.ds(i * 16, 16)]
        no_v[pl.ds(i * 16, 16)] = v + coff
        return 0

    lax.fori_loop(0, EPAD // 16, _off, 0)

    pltpu.sync_copy(xt_hbm.at[pl.ds(c * T + s * SLAB, SLAB)],
                    acc_sh.at[pl.ds(s * SLAB, SLAB)])

    @pl.when(s == NT - 1)
    def _init_tail():
        pltpu.sync_copy(xt_hbm.at[pl.ds(c * T + NT * SLAB, T - NT * SLAB)],
                        acc_sh.at[pl.ds(NT * SLAB, T - NT * SLAB)])

    plsc.subcore_barrier()

    def _chunk(k, _):
        pltpu.async_copy(xt_hbm.at[no_v.at[pl.ds(k * CH, CH)]], rows_v,
                         sem).wait()

        def _grp(g, _):
            a_vec = a_v[pl.ds(k * CH + g * 16, 16)]
            for i in range(16):
                e = g * 16 + i
                ab = jnp.full((16,), a_vec[i])
                for jj in range(D // 16):
                    rv = rows_v[e, pl.ds(jj * 16, 16)]
                    rows_v[e, pl.ds(jj * 16, 16)] = rv * ab
            return 0

        lax.fori_loop(0, CH // 16, _grp, 0)

        pltpu.sync_copy(rows_v, acc_sh.at[ni_v.at[pl.ds(k * CH, CH)]],
                        add=True)
        return 0

    lax.fori_loop(0, NCHUNK, _chunk, 0)
    plsc.subcore_barrier()

    pltpu.sync_copy(acc_sh.at[pl.ds(s * SLAB, SLAB)],
                    out_hbm.at[c, pl.ds(s * SLAB, SLAB)])

    @pl.when(s == NT - 1)
    def _out_tail():
        pltpu.sync_copy(acc_sh.at[pl.ds(NT * SLAB, T - NT * SLAB)],
                        out_hbm.at[c, pl.ds(NT * SLAB, T - NT * SLAB)])


_mp_kernel = functools.partial(
    pl.kernel,
    out_type=jax.ShapeDtypeStruct((NC, T, D), jnp.float32),
    mesh=plsc.VectorSubcoreMesh(core_axis_name="c", subcore_axis_name="s"),
    scratch_types=[
        pltpu.VMEM((EPAD,), jnp.int32),
        pltpu.VMEM((EPAD,), jnp.int32),
        pltpu.VMEM((EPAD,), jnp.float32),
        pltpu.VMEM((CH, D), jnp.float32),
        pltpu.VMEM_SHARED((T, D), jnp.float32),
        pltpu.SemaphoreType.DMA,
    ],
)(_mp_body)


BT = 400


def _mm_body(u_ref, wt_ref, b_ref, o_ref):
    wt = wt_ref[...]
    b = b_ref[...]
    y0 = jnp.dot(u_ref[0], wt, preferred_element_type=jnp.float32) + b
    y1 = jnp.dot(u_ref[1], wt, preferred_element_type=jnp.float32) + b
    o_ref[...] = jnp.stack([y0, y1], axis=1)


def _linear(upd, wt, b2):
    return pl.pallas_call(
        _mm_body,
        grid=(T // BT,),
        in_specs=[
            pl.BlockSpec((NC, BT, D), lambda t: (0, t, 0)),
            pl.BlockSpec((D, D), lambda t: (0, 0)),
            pl.BlockSpec((1, D), lambda t: (0, 0)),
        ],
        out_specs=pl.BlockSpec((BT, NC, D), lambda t: (t, 0, 0)),
        out_shape=jax.ShapeDtypeStruct((T, NC, D), jnp.float32),
    )(upd, wt, b2)


def kernel(x_1st, x_2nd, edge, A_masked, W_node, b_node):
    xt = jnp.transpose(x_1st[0], (1, 0, 2)).reshape(NC * T, D)
    pad = ((0, 0), (0, EPAD - EPT))
    ni = jnp.pad(edge[0].reshape(NT, EPT), pad)
    no = jnp.pad(edge[1].reshape(NT, EPT), pad)
    a = jnp.pad(A_masked[0, 0].reshape(NT, EPT), pad)

    upd = _mp_kernel(xt, no, ni, a)

    out = _linear(upd, W_node.T, b_node[None, :])
    return out.reshape(1, T, NC, D)

# --- scband reference (transcript-rebuilt; emitter-appended) ---
"""Pipeline reference for scband-gnn-ebm-layer-node-51874615001420 (READ-ONLY COPY).

The authoritative reference and input builder live on the scoring server;
editing this copy changes nothing except your own understanding.
"""

import jax, jax.numpy as jnp
import numpy as np

B, T, M, D, DOUT = 1, 10000, 160000, 128, 128

def setup_inputs(seed: int = 0) -> dict:
    key = jax.random.key(seed)
    k1, k2, k3, k4 = jax.random.split(key, 4)
    x_1st = jax.random.normal(k1, (B, T, 2, D), dtype=jnp.float32)
    x_2nd = jnp.zeros((B, M, 4, D), dtype=jnp.float32)
    edge = jax.random.randint(k2, (2, M), 0, T, dtype=jnp.int32)
    A_masked = jax.random.normal(k3, (B, 1, M), dtype=jnp.float32)
    # node_layer = nn.Linear(input_dim, output_dim)
    W_node = (jax.random.normal(k4, (DOUT, D), dtype=jnp.float32) * 0.05)
    b_node = jnp.zeros((DOUT,), dtype=jnp.float32)
    return {"x_1st": x_1st, "x_2nd": x_2nd, "edge": edge, "A_masked": A_masked,
            "W_node": W_node, "b_node": b_node}

def _node_message_passing(x, edge, A_masked):
    # x: (B, T, d)
    Tdim = x.shape[1]
    node_in, node_out = edge[0], edge[1]
    x_out = jnp.take(x, node_out, axis=1)            # (B, M, d)  gather
    x_out = jnp.swapaxes(x_out, 1, 2)                # (B, d, M)
    x_out = x_out * A_masked                         # broadcast mul with (B, 1, M)
    x_out = jnp.swapaxes(x_out, 1, 2)                # (B, M, d)
    update = jnp.zeros((x.shape[0], Tdim, x.shape[2]), dtype=x.dtype)
    update = update.at[:, node_in, :].add(x_out)     # scatter-add over dim 1
    return x + update

def reference(x_1st, x_2nd, edge, A_masked, W_node, b_node):
    # x_1st: (B, T, 2, d); x_2nd unused in forward (matches original module)
    x_1st_neg = x_1st[:, :, 0, :]
    x_1st_pos = x_1st[:, :, 1, :]
    x_neg = _node_message_passing(x_1st_neg, edge, A_masked)
    x_pos = _node_message_passing(x_1st_pos, edge, A_masked)
    x = jnp.stack([x_neg, x_pos], axis=2)            # (B, T, 2, d)
    x = x @ W_node.T + b_node                        # node_layer Linear
    return x

if __name__ == "__main__":
    import jax
    _d = setup_inputs()
    print(jax.jit(kernel)(*tuple(_d.values())))

</pallas_src>

<mosaic_0001>
#map = affine_map<(d0, d1) -> (0, 0)>
#map1 = affine_map<(d0, d1) -> (0, 0, 0)>
module attributes {stable_mosaic.version = 14 : i64} {
  func.func @_mp_body(%arg0: i32, %arg1: i32, %arg2: memref<20000x128xf32, #tpu.memory_space<hbm>>, %arg3: memref<16x10112xi32, #tpu.memory_space<hbm>>, %arg4: memref<16x10112xi32, #tpu.memory_space<hbm>>, %arg5: memref<16x10112xf32, #tpu.memory_space<hbm>>, %arg6: memref<2x10000x128xf32, #tpu.memory_space<hbm>>, %arg7: memref<10112xi32, #tpu.memory_space<vmem>>, %arg8: memref<10112xi32, #tpu.memory_space<vmem>>, %arg9: memref<10112xf32, #tpu.memory_space<vmem>>, %arg10: memref<128x128xf32, #tpu.memory_space<vmem>>, %arg11: memref<10000x128xf32, #tpu.memory_space<vmem_shared>>, %arg12: memref<!tpu.dma_semaphore, #tpu.memory_space<semaphore_mem>>) attributes {dimension_semantics = [#tpu.dimension_semantics<core_parallel>, #tpu.dimension_semantics<subcore_parallel>], iteration_bounds = array<i64: 2, 16>, scalar_prefetch = 0 : i64, scratch_operands = 6 : i64, tpu.core_type = #tpu.core_type<sc_vector_subcore>, window_params = [{transform_indices = #map}, {transform_indices = #map}, {transform_indices = #map}, {transform_indices = #map}, {transform_indices = #map1}]} {
    "tpu.region"() ({
      %run_scoped3A = tpu.sem_alloc : memref<!tpu.dma_semaphore, #tpu.memory_space<semaphore_mem>>
      %dma_start3A = arith.constant 0 : i32
      %dma_start3A_32 = tpu.memref_slice %arg3[%arg1, %dma_start3A] : memref<16x10112xi32, #tpu.memory_space<hbm>> -> memref<1x10112xi32, #tpu.memory_space<hbm>>
      %dma_start3A_33 = tpu.memref_squeeze %dma_start3A_32 : memref<1x10112xi32, #tpu.memory_space<hbm>> -> memref<10112xi32, #tpu.memory_space<hbm>>
      %dma_start3A_34 = arith.constant 0 : i32
      %dma_start3A_35 = tpu.memref_slice %arg3[%arg1, %dma_start3A_34] : memref<16x10112xi32, #tpu.memory_space<hbm>> -> memref<1x10112xi32, #tpu.memory_space<hbm>>
      %dma_start3A_36 = tpu.memref_squeeze %dma_start3A_35 : memref<1x10112xi32, #tpu.memory_space<hbm>> -> memref<10112xi32, #tpu.memory_space<hbm>>
      tpu.enqueue_dma source(%dma_start3A_36 : memref<10112xi32, #tpu.memory_space<hbm>>) target(%arg7 : memref<10112xi32, #tpu.memory_space<vmem>>) target_semaphore(%run_scoped3A : memref<!tpu.dma_semaphore, #tpu.memory_space<semaphore_mem>>)
      %dma_wait3A = arith.constant 0 : i32
      %dma_wait3A_37 = tpu.memref_slice %arg3[%arg1, %dma_wait3A] : memref<16x10112xi32, #tpu.memory_space<hbm>> -> memref<1x10112xi32, #tpu.memory_space<hbm>>
      %dma_wait3A_38 = tpu.memref_squeeze %dma_wait3A_37 : memref<1x10112xi32, #tpu.memory_space<hbm>> -> memref<10112xi32, #tpu.memory_space<hbm>>
      %dma_wait3A_39 = arith.constant 0 : i32
      %dma_wait3A_40 = tpu.memref_slice %arg3[%arg1, %dma_wait3A_39] : memref<16x10112xi32, #tpu.memory_space<hbm>> -> memref<1x10112xi32, #tpu.memory_space<hbm>>
      %dma_wait3A_41 = tpu.memref_squeeze %dma_wait3A_40 : memref<1x10112xi32, #tpu.memory_space<hbm>> -> memref<10112xi32, #tpu.memory_space<hbm>>
      tpu.wait_dma2 semaphore(%run_scoped3A : memref<!tpu.dma_semaphore, #tpu.memory_space<semaphore_mem>>) src(%dma_wait3A_41 : memref<10112xi32, #tpu.memory_space<hbm>>) dst(%arg7 : memref<10112xi32, #tpu.memory_space<vmem>>)
      tpu.yield
    }) : () -> ()
    "tpu.region"() ({
      %run_scoped3A = tpu.sem_alloc : memref<!tpu.dma_semaphore, #tpu.memory_space<semaphore_mem>>
      %dma_start3A = arith.constant 0 : i32
      %dma_start3A_32 = tpu.memref_slice %arg4[%arg1, %dma_start3A] : memref<16x10112xi32, #tpu.memory_space<hbm>> -> memref<1x10112xi32, #tpu.memory_space<hbm>>
      %dma_start3A_33 = tpu.memref_squeeze %dma_start3A_32 : memref<1x10112xi32, #tpu.memory_space<hbm>> -> memref<10112xi32, #tpu.memory_space<hbm>>
      %dma_start3A_34 = arith.constant 0 : i32
      %dma_start3A_35 = tpu.memref_slice %arg4[%arg1, %dma_start3A_34] : memref<16x10112xi32, #tpu.memory_space<hbm>> -> memref<1x10112xi32, #tpu.memory_space<hbm>>
      %dma_start3A_36 = tpu.memref_squeeze %dma_start3A_35 : memref<1x10112xi32, #tpu.memory_space<hbm>> -> memref<10112xi32, #tpu.memory_space<hbm>>
      tpu.enqueue_dma source(%dma_start3A_36 : memref<10112xi32, #tpu.memory_space<hbm>>) target(%arg8 : memref<10112xi32, #tpu.memory_space<vmem>>) target_semaphore(%run_scoped3A : memref<!tpu.dma_semaphore, #tpu.memory_space<semaphore_mem>>)
      %dma_wait3A = arith.constant 0 : i32
      %dma_wait3A_37 = tpu.memref_slice %arg4[%arg1, %dma_wait3A] : memref<16x10112xi32, #tpu.memory_space<hbm>> -> memref<1x10112xi32, #tpu.memory_space<hbm>>
      %dma_wait3A_38 = tpu.memref_squeeze %dma_wait3A_37 : memref<1x10112xi32, #tpu.memory_space<hbm>> -> memref<10112xi32, #tpu.memory_space<hbm>>
      %dma_wait3A_39 = arith.constant 0 : i32
      %dma_wait3A_40 = tpu.memref_slice %arg4[%arg1, %dma_wait3A_39] : memref<16x10112xi32, #tpu.memory_space<hbm>> -> memref<1x10112xi32, #tpu.memory_space<hbm>>
      %dma_wait3A_41 = tpu.memref_squeeze %dma_wait3A_40 : memref<1x10112xi32, #tpu.memory_space<hbm>> -> memref<10112xi32, #tpu.memory_space<hbm>>
      tpu.wait_dma2 semaphore(%run_scoped3A : memref<!tpu.dma_semaphore, #tpu.memory_space<semaphore_mem>>) src(%dma_wait3A_41 : memref<10112xi32, #tpu.memory_space<hbm>>) dst(%arg8 : memref<10112xi32, #tpu.memory_space<vmem>>)
      tpu.yield
    }) : () -> ()
    "tpu.region"() ({
      %run_scoped3A = tpu.sem_alloc : memref<!tpu.dma_semaphore, #tpu.memory_space<semaphore_mem>>
      %dma_start3A = arith.constant 0 : i32
      %dma_start3A_32 = tpu.memref_slice %arg5[%arg1, %dma_start3A] : memref<16x10112xf32, #tpu.memory_space<hbm>> -> memref<1x10112xf32, #tpu.memory_space<hbm>>
      %dma_start3A_33 = tpu.memref_squeeze %dma_start3A_32 : memref<1x10112xf32, #tpu.memory_space<hbm>> -> memref<10112xf32, #tpu.memory_space<hbm>>
      %dma_start3A_34 = arith.constant 0 : i32
      %dma_start3A_35 = tpu.memref_slice %arg5[%arg1, %dma_start3A_34] : memref<16x10112xf32, #tpu.memory_space<hbm>> -> memref<1x10112xf32, #tpu.memory_space<hbm>>
      %dma_start3A_36 = tpu.memref_squeeze %dma_start3A_35 : memref<1x10112xf32, #tpu.memory_space<hbm>> -> memref<10112xf32, #tpu.memory_space<hbm>>
      tpu.enqueue_dma source(%dma_start3A_36 : memref<10112xf32, #tpu.memory_space<hbm>>) target(%arg9 : memref<10112xf32, #tpu.memory_space<vmem>>) target_semaphore(%run_scoped3A : memref<!tpu.dma_semaphore, #tpu.memory_space<semaphore_mem>>)
      %dma_wait3A = arith.constant 0 : i32
      %dma_wait3A_37 = tpu.memref_slice %arg5[%arg1, %dma_wait3A] : memref<16x10112xf32, #tpu.memory_space<hbm>> -> memref<1x10112xf32, #tpu.memory_space<hbm>>
      %dma_wait3A_38 = tpu.memref_squeeze %dma_wait3A_37 : memref<1x10112xf32, #tpu.memory_space<hbm>> -> memref<10112xf32, #tpu.memory_space<hbm>>
      %dma_wait3A_39 = arith.constant 0 : i32
      %dma_wait3A_40 = tpu.memref_slice %arg5[%arg1, %dma_wait3A_39] : memref<16x10112xf32, #tpu.memory_space<hbm>> -> memref<1x10112xf32, #tpu.memory_space<hbm>>
      %dma_wait3A_41 = tpu.memref_squeeze %dma_wait3A_40 : memref<1x10112xf32, #tpu.memory_space<hbm>> -> memref<10112xf32, #tpu.memory_space<hbm>>
      tpu.wait_dma2 semaphore(%run_scoped3A : memref<!tpu.dma_semaphore, #tpu.memory_space<semaphore_mem>>) src(%dma_wait3A_41 : memref<10112xf32, #tpu.memory_space<hbm>>) dst(%arg9 : memref<10112xf32, #tpu.memory_space<vmem>>)
      tpu.yield
    }) : () -> ()
    %mul3A = arith.constant 10000 : i32
    %mul3A_0 = arith.muli %arg0, %mul3A : i32
    %scan3A = arith.constant 0 : i32
    %scan3A_1 = arith.constant 0 : i32
    %scan3A_2 = arith.constant 632 : i32
    %scan3A_3 = arith.addi %scan3A_1, %scan3A_2 : i32
    %scan3A_4 = arith.constant 1 : i32
    %scan3A_5 = scf.for %scan3A_32 = %scan3A_1 to %scan3A_3 step %scan3A_4 iter_args(%scan3A_33 = %scan3A) -> (i32)  : i32 {
      %mul3A_34 = arith.constant 16 : i32
      %mul3A_35 = arith.muli %scan3A_32, %mul3A_34 : i32
      %get3A = arith.index_cast %mul3A_35 : i32 to index
      %get3A_36 = tpu.vector_load %arg7[%get3A] {strides = array<i32>} : memref<10112xi32, #tpu.memory_space<vmem>>, vector<16xi32>,
      %get3A_37 = vector.shape_cast %get3A_36 : vector<16xi32> to vector<16xi32>
      %add3A_38 = vector.broadcast %mul3A_0 : i32 to vector<16xi32>
      %add3A_39 = arith.addi %get3A_37, %add3A_38 : vector<16xi32>
      %mul3A_40 = arith.constant 16 : i32
      %mul3A_41 = arith.muli %scan3A_32, %mul3A_40 : i32
      %swap3A = arith.index_cast %mul3A_41 : i32 to index
      %swap3A_42 = tpu.vector_load %arg7[%swap3A] {strides = array<i32>} : memref<10112xi32, #tpu.memory_space<vmem>>, vector<16xi32>,
      %swap3A_43 = vector.shape_cast %swap3A_42 : vector<16xi32> to vector<16xi32>
      %swap3A_44 = vector.shape_cast %add3A_39 : vector<16xi32> to vector<16xi32>
      tpu.vector_store %arg7[%swap3A], %swap3A_44 {strides = array<i32>} : memref<10112xi32, #tpu.memory_space<vmem>>, vector<16xi32>,
      %scan3A_45 = arith.constant 0 : i32
      scf.yield %scan3A_45 : i32
    }
    %scan3A_6 = arith.constant 632 : i32
    %mul3A_7 = arith.constant 10000 : i32
    %mul3A_8 = arith.muli %arg0, %mul3A_7 : i32
    %mul3A_9 = arith.constant 624 : i32
    %mul3A_10 = arith.muli %arg1, %mul3A_9 : i32
    %add3A = arith.addi %mul3A_8, %mul3A_10 : i32
    %mul3A_11 = arith.constant 624 : i32
    %mul3A_12 = arith.muli %arg1, %mul3A_11 : i32
    "tpu.region"() ({
      %run_scoped3A = tpu.sem_alloc : memref<!tpu.dma_semaphore, #tpu.memory_space<semaphore_mem>>
      %dma_start3A = arith.constant 0 : i32
      %dma_start3A_32 = tpu.memref_slice %arg11[%mul3A_12, %dma_start3A] : memref<10000x128xf32, #tpu.memory_space<vmem_shared>> -> memref<624x128xf32, #tpu.memory_space<vmem_shared>>
      %dma_start3A_33 = arith.constant 0 : i32
      %dma_start3A_34 = tpu.memref_slice %arg2[%add3A, %dma_start3A_33] : memref<20000x128xf32, #tpu.memory_space<hbm>> -> memref<624x128xf32, #tpu.memory_space<hbm>>
      tpu.enqueue_dma source(%dma_start3A_34 : memref<624x128xf32, #tpu.memory_space<hbm>>) target(%dma_start3A_32 : memref<624x128xf32, #tpu.memory_space<vmem_shared>>) target_semaphore(%run_scoped3A : memref<!tpu.dma_semaphore, #tpu.memory_space<semaphore_mem>>)
      %dma_wait3A = arith.constant 0 : i32
      %dma_wait3A_35 = tpu.memref_slice %arg11[%mul3A_12, %dma_wait3A] : memref<10000x128xf32, #tpu.memory_space<vmem_shared>> -> memref<624x128xf32, #tpu.memory_space<vmem_shared>>
      %dma_wait3A_36 = arith.constant 0 : i32
      %dma_wait3A_37 = tpu.memref_slice %arg2[%add3A, %dma_wait3A_36] : memref<20000x128xf32, #tpu.memory_space<hbm>> -> memref<624x128xf32, #tpu.memory_space<hbm>>
      tpu.wait_dma2 semaphore(%run_scoped3A : memref<!tpu.dma_semaphore, #tpu.memory_space<semaphore_mem>>) src(%dma_wait3A_37 : memref<624x128xf32, #tpu.memory_space<hbm>>) dst(%dma_wait3A_35 : memref<624x128xf32, #tpu.memory_space<vmem_shared>>)
      tpu.yield
    }) : () -> ()
    %eq3A = arith.constant 15 : i32
    %eq3A_13 = arith.cmpi eq, %arg1, %eq3A : i32
    %convert_element_type3A = arith.extui %eq3A_13 : i1 to i32
    %cond3A = arith.constant 0 : i32
    %cond3A_14 = arith.cmpi ne, %convert_element_type3A, %cond3A : i32
    scf.if %cond3A_14 {
      %mul3A_32 = arith.constant 10000 : i32
      %mul3A_33 = arith.muli %arg0, %mul3A_32 : i32
      %add3A_34 = arith.constant 9984 : i32
      %add3A_35 = arith.addi %mul3A_33, %add3A_34 : i32
      "tpu.region"() ({
        %run_scoped3A = tpu.sem_alloc : memref<!tpu.dma_semaphore, #tpu.memory_space<semaphore_mem>>
        %dma_start3A = arith.constant 9984 : i32
        %dma_start3A_36 = arith.constant 0 : i32
        %dma_start3A_37 = tpu.memref_slice %arg11[%dma_start3A, %dma_start3A_36] : memref<10000x128xf32, #tpu.memory_space<vmem_shared>> -> memref<16x128xf32, #tpu.memory_space<vmem_shared>>
        %dma_start3A_38 = arith.constant 0 : i32
        %dma_start3A_39 = tpu.memref_slice %arg2[%add3A_35, %dma_start3A_38] : memref<20000x128xf32, #tpu.memory_space<hbm>> -> memref<16x128xf32, #tpu.memory_space<hbm>>
        tpu.enqueue_dma source(%dma_start3A_39 : memref<16x128xf32, #tpu.memory_space<hbm>>) target(%dma_start3A_37 : memref<16x128xf32, #tpu.memory_space<vmem_shared>>) target_semaphore(%run_scoped3A : memref<!tpu.dma_semaphore, #tpu.memory_space<semaphore_mem>>)
        %dma_wait3A = arith.constant 9984 : i32
        %dma_wait3A_40 = arith.constant 0 : i32
        %dma_wait3A_41 = tpu.memref_slice %arg11[%dma_wait3A, %dma_wait3A_40] : memref<10000x128xf32, #tpu.memory_space<vmem_shared>> -> memref<16x128xf32, #tpu.memory_space<vmem_shared>>
        %dma_wait3A_42 = arith.constant 0 : i32
        %dma_wait3A_43 = tpu.memref_slice %arg2[%add3A_35, %dma_wait3A_42] : memref<20000x128xf32, #tpu.memory_space<hbm>> -> memref<16x128xf32, #tpu.memory_space<hbm>>
        tpu.wait_dma2 semaphore(%run_scoped3A : memref<!tpu.dma_semaphore, #tpu.memory_space<semaphore_mem>>) src(%dma_wait3A_43 : memref<16x128xf32, #tpu.memory_space<hbm>>) dst(%dma_wait3A_41 : memref<16x128xf32, #tpu.memory_space<vmem_shared>>)
        tpu.yield
      }) : () -> ()
    } else {
    }
    %barrier3A = arith.constant 0 : index
    tpu.barrier barrier_id(%barrier3A)
    %scan3A_15 = arith.constant 0 : i32
    %scan3A_16 = arith.constant 0 : i32
    %scan3A_17 = arith.constant 79 : i32
    %scan3A_18 = arith.addi %scan3A_16, %scan3A_17 : i32
    %scan3A_19 = arith.constant 1 : i32
    %scan3A_20 = scf.for %scan3A_32 = %scan3A_16 to %scan3A_18 step %scan3A_19 iter_args(%scan3A_33 = %scan3A_15) -> (i32)  : i32 {
      %mul3A_34 = arith.constant 128 : i32
      %mul3A_35 = arith.muli %scan3A_32, %mul3A_34 : i32
      %dma_start3A = tpu.memref_slice %arg7[%mul3A_35] : memref<10112xi32, #tpu.memory_space<vmem>> -> memref<128xi32, #tpu.memory_space<vmem>>
      %dma_start3A_36 = arith.constant 0 : i32
      %dma_start3A_37 = arith.constant 0 : i32
      %dma_start3A_38 = tpu.memref_slice %arg2[%dma_start3A_36, %dma_start3A_37] : memref<20000x128xf32, #tpu.memory_space<hbm>> -> memref<20000x128xf32, #tpu.memory_space<hbm>>
      tpu.enqueue_indirect_dma source(%dma_start3A_38 : memref<20000x128xf32, #tpu.memory_space<hbm>>) target(%arg10 : memref<128x128xf32, #tpu.memory_space<vmem>>) offsets(%dma_start3A : memref<128xi32, #tpu.memory_space<vmem>>) semaphore(%arg12 : memref<!tpu.dma_semaphore, #tpu.memory_space<semaphore_mem>>)
      %dma_wait3A = tpu.memref_slice %arg7[%mul3A_35] : memref<10112xi32, #tpu.memory_space<vmem>> -> memref<128xi32, #tpu.memory_space<vmem>>
      %dma_wait3A_39 = arith.constant 0 : i32
      %dma_wait3A_40 = arith.constant 0 : i32
      %dma_wait3A_41 = tpu.memref_slice %arg2[%dma_wait3A_39, %dma_wait3A_40] : memref<20000x128xf32, #tpu.memory_space<hbm>> -> memref<20000x128xf32, #tpu.memory_space<hbm>>
      tpu.wait_indirect_dma semaphore(%arg12 : memref<!tpu.dma_semaphore, #tpu.memory_space<semaphore_mem>>) src(%dma_wait3A_41 : memref<20000x128xf32, #tpu.memory_space<hbm>>) dst(%arg10 : memref<128x128xf32, #tpu.memory_space<vmem>>)
      %scan3A_42 = arith.constant 0 : i32
      %scan3A_43 = arith.constant 0 : i32
      %scan3A_44 = arith.constant 8 : i32
      %scan3A_45 = arith.addi %scan3A_43, %scan3A_44 : i32
      %scan3A_46 = arith.constant 1 : i32
      %scan3A_47 = scf.for %scan3A_52 = %scan3A_43 to %scan3A_45 step %scan3A_46 iter_args(%scan3A_53 = %scan3A_42) -> (i32)  : i32 {
        %mul3A_54 = arith.constant 128 : i32
        %mul3A_55 = arith.muli %scan3A_32, %mul3A_54 : i32
        %mul3A_56 = arith.constant 16 : i32
        %mul3A_57 = arith.muli %scan3A_52, %mul3A_56 : i32
        %add3A_58 = arith.addi %mul3A_55, %mul3A_57 : i32
        %get3A = arith.index_cast %add3A_58 : i32 to index
        %get3A_59 = tpu.vector_load %arg9[%get3A] {strides = array<i32>} : memref<10112xf32, #tpu.memory_space<vmem>>, vector<16xf32>,
        %get3A_60 = vector.shape_cast %get3A_59 : vector<16xf32> to vector<16xf32>
        %mul3A_61 = arith.constant 16 : i32
        %mul3A_62 = arith.muli %scan3A_52, %mul3A_61 : i32
        %add3A_63 = arith.constant 0 : i32
        %add3A_64 = arith.addi %mul3A_62, %add3A_63 : i32
        %slice3A = vector.extract_strided_slice %get3A_60 {offsets = [0], sizes = [1], strides = [1]} : vector<16xf32> to vector<1xf32>
        %squeeze3A = vector.extract %slice3A[0] : f32 from vector<1xf32>
        %broadcast_in_dim3A = vector.broadcast %squeeze3A : f32 to vector<16xf32>
        %get3A_65 = arith.index_cast %add3A_64 : i32 to index
        %get3A_66 = arith.constant 0 : index
        %get3A_67 = tpu.vector_load %arg10[%get3A_65, %get3A_66] {strides = array<i32>} : memref<128x128xf32, #tpu.memory_space<vmem>>, vector<1x16xf32>,
        %get3A_68 = vector.shape_cast %get3A_67 : vector<1x16xf32> to vector<16xf32>
        %mul3A_69 = arith.mulf %get3A_68, %broadcast_in_dim3A : vector<16xf32>
        %swap3A = arith.index_cast %add3A_64 : i32 to index
        %swap3A_70 = arith.constant 0 : index
        %swap3A_71 = tpu.vector_load %arg10[%swap3A, %swap3A_70] {strides = array<i32>} : memref<128x128xf32, #tpu.memory_space<vmem>>, vector<1x16xf32>,
        %swap3A_72 = vector.shape_cast %swap3A_71 : vector<1x16xf32> to vector<16xf32>
        %swap3A_73 = vector.shape_cast %mul3A_69 : vector<16xf32> to vector<1x16xf32>
        tpu.vector_store %arg10[%swap3A, %swap3A_70], %swap3A_73 {strides = array<i32>} : memref<128x128xf32, #tpu.memory_space<vmem>>, vector<1x16xf32>,
        %get3A_74 = arith.index_cast %add3A_64 : i32 to index
        %get3A_75 = arith.constant 16 : index
        %get3A_76 = tpu.vector_load %arg10[%get3A_74, %get3A_75] {strides = array<i32>} : memref<128x128xf32, #tpu.memory_space<vmem>>, vector<1x16xf32>,
        %get3A_77 = vector.shape_cast %get3A_76 : vector<1x16xf32> to vector<16xf32>
        %mul3A_78 = arith.mulf %get3A_77, %broadcast_in_dim3A : vector<16xf32>
        %swap3A_79 = arith.index_cast %add3A_64 : i32 to index
        %swap3A_80 = arith.constant 16 : index
        %swap3A_81 = tpu.vector_load %arg10[%swap3A_79, %swap3A_80] {strides = array<i32>} : memref<128x128xf32, #tpu.memory_space<vmem>>, vector<1x16xf32>,
        %swap3A_82 = vector.shape_cast %swap3A_81 : vector<1x16xf32> to vector<16xf32>
        %swap3A_83 = vector.shape_cast %mul3A_78 : vector<16xf32> to vector<1x16xf32>
        tpu.vector_store %arg10[%swap3A_79, %swap3A_80], %swap3A_83 {strides = array<i32>} : memref<128x128xf32, #tpu.memory_space<vmem>>, vector<1x16xf32>,
        %get3A_84 = arith.index_cast %add3A_64 : i32 to index
        %get3A_85 = arith.constant 32 : index
        %get3A_86 = tpu.vector_load %arg10[%get3A_84, %get3A_85] {strides = array<i32>} : memref<128x128xf32, #tpu.memory_space<vmem>>, vector<1x16xf32>,
        %get3A_87 = vector.shape_cast %get3A_86 : vector<1x16xf32> to vector<16xf32>
        %mul3A_88 = arith.mulf %get3A_87, %broadcast_in_dim3A : vector<16xf32>
        %swap3A_89 = arith.index_cast %add3A_64 : i32 to index
        %swap3A_90 = arith.constant 32 : index
        %swap3A_91 = tpu.vector_load %arg10[%swap3A_89, %swap3A_90] {strides = array<i32>} : memref<128x128xf32, #tpu.memory_space<vmem>>, vector<1x16xf32>,
        %swap3A_92 = vector.shape_cast %swap3A_91 : vector<1x16xf32> to vector<16xf32>
        %swap3A_93 = vector.shape_cast %mul3A_88 : vector<16xf32> to vector<1x16xf32>
        tpu.vector_store %arg10[%swap3A_89, %swap3A_90], %swap3A_93 {strides = array<i32>} : memref<128x128xf32, #tpu.memory_space<vmem>>, vector<1x16xf32>,
        %get3A_94 = arith.index_cast %add3A_64 : i32 to index
        %get3A_95 = arith.constant 48 : index
        %get3A_96 = tpu.vector_load %arg10[%get3A_94, %get3A_95] {strides = array<i32>} : memref<128x128xf32, #tpu.memory_space<vmem>>, vector<1x16xf32>,
        %get3A_97 = vector.shape_cast %get3A_96 : vector<1x16xf32> to vector<16xf32>
        %mul3A_98 = arith.mulf %get3A_97, %broadcast_in_dim3A : vector<16xf32>
        %swap3A_99 = arith.index_cast %add3A_64 : i32 to index
        %swap3A_100 = arith.constant 48 : index
        %swap3A_101 = tpu.vector_load %arg10[%swap3A_99, %swap3A_100] {strides = array<i32>} : memref<128x128xf32, #tpu.memory_space<vmem>>, vector<1x16xf32>,
        %swap3A_102 = vector.shape_cast %swap3A_101 : vector<1x16xf32> to vector<16xf32>
        %swap3A_103 = vector.shape_cast %mul3A_98 : vector<16xf32> to vector<1x16xf32>
        tpu.vector_store %arg10[%swap3A_99, %swap3A_100], %swap3A_103 {strides = array<i32>} : memref<128x128xf32, #tpu.memory_space<vmem>>, vector<1x16xf32>,
        %get3A_104 = arith.index_cast %add3A_64 : i32 to index
        %get3A_105 = arith.constant 64 : index
        %get3A_106 = tpu.vector_load %arg10[%get3A_104, %get3A_105] {strides = array<i32>} : memref<128x128xf32, #tpu.memory_space<vmem>>, vector<1x16xf32>,
        %get3A_107 = vector.shape_cast %get3A_106 : vector<1x16xf32> to vector<16xf32>
        %mul3A_108 = arith.mulf %get3A_107, %broadcast_in_dim3A : vector<16xf32>
        %swap3A_109 = arith.index_cast %add3A_64 : i32 to index
        %swap3A_110 = arith.constant 64 : index
        %swap3A_111 = tpu.vector_load %arg10[%swap3A_109, %swap3A_110] {strides = array<i32>} : memref<128x128xf32, #tpu.memory_space<vmem>>, vector<1x16xf32>,
        %swap3A_112 = vector.shape_cast %swap3A_111 : vector<1x16xf32> to vector<16xf32>
        %swap3A_113 = vector.shape_cast %mul3A_108 : vector<16xf32> to vector<1x16xf32>
        tpu.vector_store %arg10[%swap3A_109, %swap3A_110], %swap3A_113 {strides = array<i32>} : memref<128x128xf32, #tpu.memory_space<vmem>>, vector<1x16xf32>,
        %get3A_114 = arith.index_cast %add3A_64 : i32 to index
        %get3A_115 = arith.constant 80 : index
        %get3A_116 = tpu.vector_load %arg10[%get3A_114, %get3A_115] {strides = array<i32>} : memref<128x128xf32, #tpu.memory_space<vmem>>, vector<1x16xf32>,
        %get3A_117 = vector.shape_cast %get3A_116 : vector<1x16xf32> to vector<16xf32>
        %mul3A_118 = arith.mulf %get3A_117, %broadcast_in_dim3A : vector<16xf32>
        %swap3A_119 = arith.index_cast %add3A_64 : i32 to index
        %swap3A_120 = arith.constant 80 : index
        %swap3A_121 = tpu.vector_load %arg10[%swap3A_119, %swap3A_120] {strides = array<i32>} : memref<128x128xf32, #tpu.memory_space<vmem>>, vector<1x16xf32>,
        %swap3A_122 = vector.shape_cast %swap3A_121 : vector<1x16xf32> to vector<16xf32>
        %swap3A_123 = vector.shape_cast %mul3A_118 : vector<16xf32> to vector<1x16xf32>
        tpu.vector_store %arg10[%swap3A_119, %swap3A_120], %swap3A_123 {strides = array<i32>} : memref<128x128xf32, #tpu.memory_space<vmem>>, vector<1x16xf32>,
        %get3A_124 = arith.index_cast %add3A_64 : i32 to index
        %get3A_125 = arith.constant 96 : index
        %get3A_126 = tpu.vector_load %arg10[%get3A_124, %get3A_125] {strides = array<i32>} : memref<128x128xf32, #tpu.memory_space<vmem>>, vector<1x16xf32>,
        %get3A_127 = vector.shape_cast %get3A_126 : vector<1x16xf32> to vector<16xf32>
        %mul3A_128 = arith.mulf %get3A_127, %broadcast_in_dim3A : vector<16xf32>
        %swap3A_129 = arith.index_cast %add3A_64 : i32 to index
        %swap3A_130 = arith.constant 96 : index
        %swap3A_131 = tpu.vector_load %arg10[%swap3A_129, %swap3A_130] {strides = array<i32>} : memref<128x128xf32, #tpu.memory_space<vmem>>, vector<1x16xf32>,
        %swap3A_132 = vector.shape_cast %swap3A_131 : vector<1x16xf32> to vector<16xf32>
        %swap3A_133 = vector.shape_cast %mul3A_128 : vector<16xf32> to vector<1x16xf32>
        tpu.vector_store %arg10[%swap3A_129, %swap3A_130], %swap3A_133 {strides = array<i32>} : memref<128x128xf32, #tpu.memory_space<vmem>>, vector<1x16xf32>,
        %get3A_134 = arith.index_cast %add3A_64 : i32 to index
        %get3A_135 = arith.constant 112 : index
        %get3A_136 = tpu.vector_load %arg10[%get3A_134, %get3A_135] {strides = array<i32>} : memref<128x128xf32, #tpu.memory_space<vmem>>, vector<1x16xf32>,
        %get3A_137 = vector.shape_cast %get3A_136 : vector<1x16xf32> to vector<16xf32>
        %mul3A_138 = arith.mulf %get3A_137, %broadcast_in_dim3A : vector<16xf32>
        %swap3A_139 = arith.index_cast %add3A_64 : i32 to index
        %swap3A_140 = arith.constant 112 : index
        %swap3A_141 = tpu.vector_load %arg10[%swap3A_139, %swap3A_140] {strides = array<i32>} : memref<128x128xf32, #tpu.memory_space<vmem>>, vector<1x16xf32>,
        %swap3A_142 = vector.shape_cast %swap3A_141 : vector<1x16xf32> to vector<16xf32>
        %swap3A_143 = vector.shape_cast %mul3A_138 : vector<16xf32> to vector<1x16xf32>
        tpu.vector_store %arg10[%swap3A_139, %swap3A_140], %swap3A_143 {strides = array<i32>} : memref<128x128xf32, #tpu.memory_space<vmem>>, vector<1x16xf32>,
        %mul3A_144 = arith.constant 16 : i32
        %mul3A_145 = arith.muli %scan3A_52, %mul3A_144 : i32
        %add3A_146 = arith.constant 1 : i32
        %add3A_147 = arith.addi %mul3A_145, %add3A_146 : i32
        %slice3A_148 = vector.extract_strided_slice %get3A_60 {offsets = [1], sizes = [1], strides = [1]} : vector<16xf32> to vector<1xf32>
        %squeeze3A_149 = vector.extract %slice3A_148[0] : f32 from vector<1xf32>
        %broadcast_in_dim3A_150 = vector.broadcast %squeeze3A_149 : f32 to vector<16xf32>
        %get3A_151 = arith.index_cast %add3A_147 : i32 to index
        %get3A_152 = arith.constant 0 : index
        %get3A_153 = tpu.vector_load %arg10[%get3A_151, %get3A_152] {strides = array<i32>} : memref<128x128xf32, #tpu.memory_space<vmem>>, vector<1x16xf32>,
        %get3A_154 = vector.shape_cast %get3A_153 : vector<1x16xf32> to vector<16xf32>
        %mul3A_155 = arith.mulf %get3A_154, %broadcast_in_dim3A_150 : vector<16xf32>
        %swap3A_156 = arith.index_cast %add3A_147 : i32 to index
        %swap3A_157 = arith.constant 0 : index
        %swap3A_158 = tpu.vector_load %arg10[%swap3A_156, %swap3A_157] {strides = array<i32>} : memref<128x128xf32, #tpu.memory_space<vmem>>, vector<1x16xf32>,
        %swap3A_159 = vector.shape_cast %swap3A_158 : vector<1x16xf32> to vector<16xf32>
        %swap3A_160 = vector.shape_cast %mul3A_155 : vector<16xf32> to vector<1x16xf32>
        tpu.vector_store %arg10[%swap3A_156, %swap3A_157], %swap3A_160 {strides = array<i32>} : memref<128x128xf32, #tpu.memory_space<vmem>>, vector<1x16xf32>,
        %get3A_161 = arith.index_cast %add3A_147 : i32 to index
        %get3A_162 = arith.constant 16 : index
        %get3A_163 = tpu.vector_load %arg10[%get3A_161, %get3A_162] {strides = array<i32>} : memref<128x128xf32, #tpu.memory_space<vmem>>, vector<1x16xf32>,
        %get3A_164 = vector.shape_cast %get3A_163 : vector<1x16xf32> to vector<16xf32>
        %mul3A_165 = arith.mulf %get3A_164, %broadcast_in_dim3A_150 : vector<16xf32>
        %swap3A_166 = arith.index_cast %add3A_147 : i32 to index
        %swap3A_167 = arith.constant 16 : index
        %swap3A_168 = tpu.vector_load %arg10[%swap3A_166, %swap3A_167] {strides = array<i32>} : memref<128x128xf32, #tpu.memory_space<vmem>>, vector<1x16xf32>,
        %swap3A_169 = vector.shape_cast %swap3A_168 : vector<1x16xf32> to vector<16xf32>
        %swap3A_170 = vector.shape_cast %mul3A_165 : vector<16xf32> to vector<1x16xf32>
        tpu.vector_store %arg10[%swap3A_166, %swap3A_167], %swap3A_170 {strides = array<i32>} : memref<128x128xf32, #tpu.memory_space<vmem>>, vector<1x16xf32>,
        %get3A_171 = arith.index_cast %add3A_147 : i32 to index
        %get3A_172 = arith.constant 32 : index
        %get3A_173 = tpu.vector_load %arg10[%get3A_171, %get3A_172] {strides = array<i32>} : memref<128x128xf32, #tpu.memory_space<vmem>>, vector<1x16xf32>,
        %get3A_174 = vector.shape_cast %get3A_173 : vector<1x16xf32> to vector<16xf32>
        %mul3A_175 = arith.mulf %get3A_174, %broadcast_in_dim3A_150 : vector<16xf32>
        %swap3A_176 = arith.index_cast %add3A_147 : i32 to index
        %swap3A_177 = arith.constant 32 : index
        %swap3A_178 = tpu.vector_load %arg10[%swap3A_176, %swap3A_177] {strides = array<i32>} : memref<128x128xf32, #tpu.memory_space<vmem>>, vector<1x16xf32>,
        %swap3A_179 = vector.shape_cast %swap3A_178 : vector<1x16xf32> to vector<16xf32>
        %swap3A_180 = vector.shape_cast %mul3A_175 : vector<16xf32> to vector<1x16xf32>
        tpu.vector_store %arg10[%swap3A_176, %swap3A_177], %swap3A_180 {strides = array<i32>} : memref<128x128xf32, #tpu.memory_space<vmem>>, vector<1x16xf32>,
        %get3A_181 = arith.index_cast %add3A_147 : i32 to index
        %get3A_182 = arith.constant 48 : index
        %get3A_183 = tpu.vector_load %arg10[%get3A_181, %get3A_182] {strides = array<i32>} : memref<128x128xf32, #tpu.memory_space<vmem>>, vector<1x16xf32>,
        %get3A_184 = vector.shape_cast %get3A_183 : vector<1x16xf32> to vector<16xf32>
        %mul3A_185 = arith.mulf %get3A_184, %broadcast_in_dim3A_150 : vector<16xf32>
        %swap3A_186 = arith.index_cast %add3A_147 : i32 to index
        %swap3A_187 = arith.constant 48 : index
        %swap3A_188 = tpu.vector_load %arg10[%swap3A_186, %swap3A_187] {strides = array<i32>} : memref<128x128xf32, #tpu.memory_space<vmem>>, vector<1x16xf32>,
        %swap3A_189 = vector.shape_cast %swap3A_188 : vector<1x16xf32> to vector<16xf32>
        %swap3A_190 = vector.shape_cast %mul3A_185 : vector<16xf32> to vector<1x16xf32>
        tpu.vector_store %arg10[%swap3A_186, %swap3A_187], %swap3A_190 {strides = array<i32>} : memref<128x128xf32, #tpu.memory_space<vmem>>, vector<1x16xf32>,
        %get3A_191 = arith.index_cast %add3A_147 : i32 to index
        %get3A_192 = arith.constant 64 : index
        %get3A_193 = tpu.vector_load %arg10[%get3A_191, %get3A_192] {strides = array<i32>} : memref<128x128xf32, #tpu.memory_space<vmem>>, vector<1x16xf32>,
        %get3A_194 = vector.shape_cast %get3A_193 : vector<1x16xf32> to vector<16xf32>
        %mul3A_195 = arith.mulf %get3A_194, %broadcast_in_dim3A_150 : vector<16xf32>
        %swap3A_196 = arith.index_cast %add3A_147 : i32 to index
        %swap3A_197 = arith.constant 64 : index
        %swap3A_198 = tpu.vector_load %arg10[%swap3A_196, %swap3A_197] {strides = array<i32>} : memref<128x128xf32, #tpu.memory_space<vmem>>, vector<1x16xf32>,
        %swap3A_199 = vector.shape_cast %swap3A_198 : vector<1x16xf32> to vector<16xf32>
        %swap3A_200 = vector.shape_cast %mul3A_195 : vector<16xf32> to vector<1x16xf32>
        tpu.vector_store %arg10[%swap3A_196, %swap3A_197], %swap3A_200 {strides = array<i32>} : memref<128x128xf32, #tpu.memory_space<vmem>>, vector<1x16xf32>,
        %get3A_201 = arith.index_cast %add3A_147 : i32 to index
        %get3A_202 = arith.constant 80 : index
        %get3A_203 = tpu.vector_load %arg10[%get3A_201, %get3A_202] {strides = array<i32>} : memref<128x128xf32, #tpu.memory_space<vmem>>, vector<1x16xf32>,
        %get3A_204 = vector.shape_cast %get3A_203 : vector<1x16xf32> to vector<16xf32>
        %mul3A_205 = arith.mulf %get3A_204, %broadcast_in_dim3A_150 : vector<16xf32>
        %swap3A_206 = arith.index_cast %add3A_147 : i32 to index
        %swap3A_207 = arith.constant 80 : index
        %swap3A_208 = tpu.vector_load %arg10[%swap3A_206, %swap3A_207] {strides = array<i32>} : memref<128x128xf32, #tpu.memory_space<vmem>>, vector<1x16xf32>,
        %swap3A_209 = vector.shape_cast %swap3A_208 : vector<1x16xf32> to vector<16xf32>
        %swap3A_210 = vector.shape_cast %mul3A_205 : vector<16xf32> to vector<1x16xf32>
        tpu.vector_store %arg10[%swap3A_206, %swap3A_207], %swap3A_210 {strides = array<i32>} : memref<128x128xf32, #tpu.memory_space<vmem>>, vector<1x16xf32>,
        %get3A_211 = arith.index_cast %add3A_147 : i32 to index
        %get3A_212 = arith.constant 96 : index
        %get3A_213 = tpu.vector_load %arg10[%get3A_211, %get3A_212] {strides = array<i32>} : memref<128x128xf32, #tpu.memory_space<vmem>>, vector<1x16xf32>,
        %get3A_214 = vector.shape_cast %get3A_213 : vector<1x16xf32> to vector<16xf32>
        %mul3A_215 = arith.mulf %get3A_214, %broadcast_in_dim3A_150 : vector<16xf32>
        %swap3A_216 = arith.index_cast %add3A_147 : i32 to index
        %swap3A_217 = arith.constant 96 : index
        %swap3A_218 = tpu.vector_load %arg10[%swap3A_216, %swap3A_217] {strides = array<i32>} : memref<128x128xf32, #tpu.memory_space<vmem>>, vector<1x16xf32>,
        %swap3A_219 = vector.shape_cast %swap3A_218 : vector<1x16xf32> to vector<16xf32>
        %swap3A_220 = vector.shape_cast %mul3A_215 : vector<16xf32> to vector<1x16xf32>
        tpu.vector_store %arg10[%swap3A_216, %swap3A_217], %swap3A_220 {strides = array<i32>} : memref<128x128xf32, #tpu.memory_space<vmem>>, vector<1x16xf32>,
        %get3A_221 = arith.index_cast %add3A_147 : i32 to index
        %get3A_222 = arith.constant 112 : index
        %get3A_223 = tpu.vector_load %arg10[%get3A_221, %get3A_222] {strides = array<i32>} : memref<128x128xf32, #tpu.memory_space<vmem>>, vector<1x16xf32>,
        %get3A_224 = vector.shape_cast %get3A_223 : vector<1x16xf32> to vector<16xf32>
        %mul3A_225 = arith.mulf %get3A_224, %broadcast_in_dim3A_150 : vector<16xf32>
        %swap3A_226 = arith.index_cast %add3A_147 : i32 to index
        %swap3A_227 = arith.constant 112 : index
        %swap3A_228 = tpu.vector_load %arg10[%swap3A_226, %swap3A_227] {strides = array<i32>} : memref<128x128xf32, #tpu.memory_space<vmem>>, vector<1x16xf32>,
        %swap3A_229 = vector.shape_cast %swap3A_228 : vector<1x16xf32> to vector<16xf32>
        %swap3A_230 = vector.shape_cast %mul3A_225 : vector<16xf32> to vector<1x16xf32>
        tpu.vector_store %arg10[%swap3A_226, %swap3A_227], %swap3A_230 {strides = array<i32>} : memref<128x128xf32, #tpu.memory_space<vmem>>, vector<1x16xf32>,
        %mul3A_231 = arith.constant 16 : i32
        %mul3A_232 = arith.muli %scan3A_52, %mul3A_231 : i32
        %add3A_233 = arith.constant 2 : i32
        %add3A_234 = arith.addi %mul3A_232, %add3A_233 : i32
        %slice3A_235 = vector.extract_strided_slice %get3A_60 {offsets = [2], sizes = [1], strides = [1]} : vector<16xf32> to vector<1xf32>
        %squeeze3A_236 = vector.extract %slice3A_235[0] : f32 from vector<1xf32>
        %broadcast_in_dim3A_237 = vector.broadcast %squeeze3A_236 : f32 to vector<16xf32>
        %get3A_238 = arith.index_cast %add3A_234 : i32 to index
        %get3A_239 = arith.constant 0 : index
        %get3A_240 = tpu.vector_load %arg10[%get3A_238, %get3A_239] {strides = array<i32>} : memref<128x128xf32, #tpu.memory_space<vmem>>, vector<1x16xf32>,
        %get3A_241 = vector.shape_cast %get3A_240 : vector<1x16xf32> to vector<16xf32>
        %mul3A_242 = arith.mulf %get3A_241, %broadcast_in_dim3A_237 : vector<16xf32>
        %swap3A_243 = arith.index_cast %add3A_234 : i32 to index
        %swap3A_244 = arith.constant 0 : index
        %swap3A_245 = tpu.vector_load %arg10[%swap3A_243, %swap3A_244] {strides = array<i32>} : memref<128x128xf32, #tpu.memory_space<vmem>>, vector<1x16xf32>,
        %swap3A_246 = vector.shape_cast %swap3A_245 : vector<1x16xf32> to vector<16xf32>
        %swap3A_247 = vector.shape_cast %mul3A_242 : vector<16xf32> to vector<1x16xf32>
        tpu.vector_store %arg10[%swap3A_243, %swap3A_244], %swap3A_247 {strides = array<i32>} : memref<128x128xf32, #tpu.memory_space<vmem>>, vector<1x16xf32>,
        %get3A_248 = arith.index_cast %add3A_234 : i32 to index
        %get3A_249 = arith.constant 16 : index
        %get3A_250 = tpu.vector_load %arg10[%get3A_248, %get3A_249] {strides = array<i32>} : memref<128x128xf32, #tpu.memory_space<vmem>>, vector<1x16xf32>,
        %get3A_251 = vector.shape_cast %get3A_250 : vector<1x16xf32> to vector<16xf32>
        %mul3A_252 = arith.mulf %get3A_251, %broadcast_in_dim3A_237 : vector<16xf32>
        %swap3A_253 = arith.index_cast %add3A_234 : i32 to index
        %swap3A_254 = arith.constant 16 : index
        %swap3A_255 = tpu.vector_load %arg10[%swap3A_253, %swap3A_254] {strides = array<i32>} : memref<128x128xf32, #tpu.memory_space<vmem>>, vector<1x16xf32>,
        %swap3A_256 = vector.shape_cast %swap3A_255 : vector<1x16xf32> to vector<16xf32>
        %swap3A_257 = vector.shape_cast %mul3A_252 : vector<16xf32> to vector<1x16xf32>
        tpu.vector_store %arg10[%swap3A_253, %swap3A_254], %swap3A_257 {strides = array<i32>} : memref<128x128xf32, #tpu.memory_space<vmem>>, vector<1x16xf32>,
        %get3A_258 = arith.index_cast %add3A_234 : i32 to index
        %get3A_259 = arith.constant 32 : index
        %get3A_260 = tpu.vector_load %arg10[%get3A_258, %get3A_259] {strides = array<i32>} : memref<128x128xf32, #tpu.memory_space<vmem>>, vector<1x16xf32>,
        %get3A_261 = vector.shape_cast %get3A_260 : vector<1x16xf32> to vector<16xf32>
        %mul3A_262 = arith.mulf %get3A_261, %broadcast_in_dim3A_237 : vector<16xf32>
        %swap3A_263 = arith.index_cast %add3A_234 : i32 to index
        %swap3A_264 = arith.constant 32 : index
        %swap3A_265 = tpu.vector_load %arg10[%swap3A_263, %swap3A_264] {strides = array<i32>} : memref<128x128xf32, #tpu.memory_space<vmem>>, vector<1x16xf32>,
        %swap3A_266 = vector.shape_cast %swap3A_265 : vector<1x16xf32> to vector<16xf32>
        %swap3A_267 = vector.shape_cast %mul3A_262 : vector<16xf32> to vector<1x16xf32>
        tpu.vector_store %arg10[%swap3A_263, %swap3A_264], %swap3A_267 {strides = array<i32>} : memref<128x128xf32, #tpu.memory_space<vmem>>, vector<1x16xf32>,
        %get3A_268 = arith.index_cast %add3A_234 : i32 to index
        %get3A_269 = arith.constant 48 : index
        %get3A_270 = tpu.vector_load %arg10[%get3A_268, %get3A_269] {strides = array<i32>} : memref<128x128xf32, #tpu.memory_space<vmem>>, vector<1x16xf32>,
        %get3A_271 = vector.shape_cast %get3A_270 : vector<1x16xf32> to vector<16xf32>
        %mul3A_272 = arith.mulf %get3A_271, %broadcast_in_dim3A_237 : vector<16xf32>
        %swap3A_273 = arith.index_cast %add3A_234 : i32 to index
        %swap3A_274 = arith.constant 48 : index
        %swap3A_275 = tpu.vector_load %arg10[%swap3A_273, %swap3A_274] {strides = array<i32>} : memref<128x128xf32, #tpu.memory_space<vmem>>, vector<1x16xf32>,
        %swap3A_276 = vector.shape_cast %swap3A_275 : vector<1x16xf32> to vector<16xf32>
        %swap3A_277 = vector.shape_cast %mul3A_272 : vector<16xf32> to vector<1x16xf32>
        tpu.vector_store %arg10[%swap3A_273, %swap3A_274], %swap3A_277 {strides = array<i32>} : memref<128x128xf32, #tpu.memory_space<vmem>>, vector<1x16xf32>,
        %get3A_278 = arith.index_cast %add3A_234 : i32 to index
        %get3A_279 = arith.constant 64 : index
        %get3A_280 = tpu.vector_load %arg10[%get3A_278, %get3A_279] {strides = array<i32>} : memref<128x128xf32, #tpu.memory_space<vmem>>, vector<1x16xf32>,
        %get3A_281 = vector.shape_cast %get3A_280 : vector<1x16xf32> to vector<16xf32>
        %mul3A_282 = arith.mulf %get3A_281, %broadcast_in_dim3A_237 : vector<16xf32>
        %swap3A_283 = arith.index_cast %add3A_234 : i32 to index
        %swap3A_284 = arith.constant 64 : index
        %swap3A_285 = tpu.vector_load %arg10[%swap3A_283, %swap3A_284] {strides = array<i32>} : memref<128x128xf32, #tpu.memory_space<vmem>>, vector<1x16xf32>,
        %swap3A_286 = vector.shape_cast %swap3A_285 : vector<1x16xf32> to vector<16xf32>
        %swap3A_287 = vector.shape_cast %mul3A_282 : vector<16xf32> to vector<1x16xf32>
        tpu.vector_store %arg10[%swap3A_283, %swap3A_284], %swap3A_287 {strides = array<i32>} : memref<128x128xf32, #tpu.memory_space<vmem>>, vector<1x16xf32>,
        %get3A_288 = arith.index_cast %add3A_234 : i32 to index
        %get3A_289 = arith.constant 80 : index
        %get3A_290 = tpu.vector_load %arg10[%get3A_288, %get3A_289] {strides = array<i32>} : memref<128x128xf32, #tpu.memory_space<vmem>>, vector<1x16xf32>,
        %get3A_291 = vector.shape_cast %get3A_290 : vector<1x16xf32> to vector<16xf32>
        %mul3A_292 = arith.mulf %get3A_291, %broadcast_in_dim3A_237 : vector<16xf32>
        %swap3A_293 = arith.index_cast %add3A_234 : i32 to index
        %swap3A_294 = arith.constant 80 : index
        %swap3A_295 = tpu.vector_load %arg10[%swap3A_293, %swap3A_294] {strides = array<i32>} : memref<128x128xf32, #tpu.memory_space<vmem>>, vector<1x16xf32>,
        %swap3A_296 = vector.shape_cast %swap3A_295 : vector<1x16xf32> to vector<16xf32>
        %swap3A_297 = vector.shape_cast %mul3A_292 : vector<16xf32> to vector<1x16xf32>
        tpu.vector_store %arg10[%swap3A_293, %swap3A_294], %swap3A_297 {strides = array<i32>} : memref<128x128xf32, #tpu.memory_space<vmem>>, vector<1x16xf32>,
        %get3A_298 = arith.index_cast %add3A_234 : i32 to index
        %get3A_299 = arith.constant 96 : index
        %get3A_300 = tpu.vector_load %arg10[%get3A_298, %get3A_299] {strides = array<i32>} : memref<128x128xf32, #tpu.memory_space<vmem>>, vector<1x16xf32>,
        %get3A_301 = vector.shape_cast %get3A_300 : vector<1x16xf32> to vector<16xf32>
        %mul3A_302 = arith.mulf %get3A_301, %broadcast_in_dim3A_237 : vector<16xf32>
        %swap3A_303 = arith.index_cast %add3A_234 : i32 to index
        %swap3A_304 = arith.constant 96 : index
        %swap3A_305 = tpu.vector_load %arg10[%swap3A_303, %swap3A_304] {strides = array<i32>} : memref<128x128xf32, #tpu.memory_space<vmem>>, vector<1x16xf32>,
        %swap3A_306 = vector.shape_cast %swap3A_305 : vector<1x16xf32> to vector<16xf32>
        %swap3A_307 = vector.shape_cast %mul3A_302 : vector<16xf32> to vector<1x16xf32>
        tpu.vector_store %arg10[%swap3A_303, %swap3A_304], %swap3A_307 {strides = array<i32>} : memref<128x128xf32, #tpu.memory_space<vmem>>, vector<1x16xf32>,
        %get3A_308 = arith.index_cast %add3A_234 : i32 to index
        %get3A_309 = arith.constant 112 : index
        %get3A_310 = tpu.vector_load %arg10[%get3A_308, %get3A_309] {strides = array<i32>} : memref<128x128xf32, #tpu.memory_space<vmem>>, vector<1x16xf32>,
        %get3A_311 = vector.shape_cast %get3A_310 : vector<1x16xf32> to vector<16xf32>
        %mul3A_312 = arith.mulf %get3A_311, %broadcast_in_dim3A_237 : vector<16xf32>
        %swap3A_313 = arith.index_cast %add3A_234 : i32 to index
        %swap3A_314 = arith.constant 112 : index
        %swap3A_315 = tpu.vector_load %arg10[%swap3A_313, %swap3A_314] {strides = array<i32>} : memref<128x128xf32, #tpu.memory_space<vmem>>, vector<1x16xf32>,
        %swap3A_316 = vector.shape_cast %swap3A_315 : vector<1x16xf32> to vector<16xf32>
        %swap3A_317 = vector.shape_cast %mul3A_312 : vector<16xf32> to vector<1x16xf32>
        tpu.vector_store %arg10[%swap3A_313, %swap3A_314], %swap3A_317 {strides = array<i32>} : memref<128x128xf32, #tpu.memory_space<vmem>>, vector<1x16xf32>,
        %mul3A_318 = arith.constant 16 : i32
        %mul3A_319 = arith.muli %scan3A_52, %mul3A_318 : i32
        %add3A_320 = arith.constant 3 : i32
        %add3A_321 = arith.addi %mul3A_319, %add3A_320 : i32
        %slice3A_322 = vector.extract_strided_slice %get3A_60 {offsets = [3], sizes = [1], strides = [1]} : vector<16xf32> to vector<1xf32>
        %squeeze3A_323 = vector.extract %slice3A_322[0] : f32 from vector<1xf32>
        %broadcast_in_dim3A_324 = vector.broadcast %squeeze3A_323 : f32 to vector<16xf32>
        %get3A_325 = arith.index_cast %add3A_321 : i32 to index
        %get3A_326 = arith.constant 0 : index
        %get3A_327 = tpu.vector_load %arg10[%get3A_325, %get3A_326] {strides = array<i32>} : memref<128x128xf32, #tpu.memory_space<vmem>>, vector<1x16xf32>,
        %get3A_328 = vector.shape_cast %get3A_327 : vector<1x16xf32> to vector<16xf32>
        %mul3A_329 = arith.mulf %get3A_328, %broadcast_in_dim3A_324 : vector<16xf32>
        %swap3A_330 = arith.index_cast %add3A_321 : i32 to index
        %swap3A_331 = arith.constant 0 : index
        %swap3A_332 = tpu.vector_load %arg10[%swap3A_330, %swap3A_331] {strides = array<i32>} : memref<128x128xf32, #tpu.memory_space<vmem>>, vector<1x16xf32>,
        %swap3A_333 = vector.shape_cast %swap3A_332 : vector<1x16xf32> to vector<16xf32>
        %swap3A_334 = vector.shape_cast %mul3A_329 : vector<16xf32> to vector<1x16xf32>
        tpu.vector_store %arg10[%swap3A_330, %swap3A_331], %swap3A_334 {strides = array<i32>} : memref<128x128xf32, #tpu.memory_space<vmem>>, vector<1x16xf32>,
        %get3A_335 = arith.index_cast %add3A_321 : i32 to index
        %get3A_336 = arith.constant 16 : index
        %get3A_337 = tpu.vector_load %arg10[%get3A_335, %get3A_336] {strides = array<i32>} : memref<128x128xf32, #tpu.memory_space<vmem>>, vector<1x16xf32>,
        %get3A_338 = vector.shape_cast %get3A_337 : vector<1x16xf32> to vector<16xf32>
        %mul3A_339 = arith.mulf %get3A_338, %broadcast_in_dim3A_324 : vector<16xf32>
        %swap3A_340 = arith.index_cast %add3A_321 : i32 to index
        %swap3A_341 = arith.constant 16 : index
        %swap3A_342 = tpu.vector_load %arg10[%swap3A_340, %swap3A_341] {strides = array<i32>} : memref<128x128xf32, #tpu.memory_space<vmem>>, vector<1x16xf32>,
        %swap3A_343 = vector.shape_cast %swap3A_342 : vector<1x16xf32> to vector<16xf32>
        %swap3A_344 = vector.shape_cast %mul3A_339 : vector<16xf32> to vector<1x16xf32>
        tpu.vector_store %arg10[%swap3A_340, %swap3A_341], %swap3A_344 {strides = array<i32>} : memref<128x128xf32, #tpu.memory_space<vmem>>, vector<1x16xf32>,
        %get3A_345 = arith.index_cast %add3A_321 : i32 to index
        %get3A_346 = arith.constant 32 : index
        %get3A_347 = tpu.vector_load %arg10[%get3A_345, %get3A_346] {strides = array<i32>} : memref<128x128xf32, #tpu.memory_space<vmem>>, vector<1x16xf32>,
        %get3A_348 = vector.shape_cast %get3A_347 : vector<1x16xf32> to vector<16xf32>
        %mul3A_349 = arith.mulf %get3A_348, %broadcast_in_dim3A_324 : vector<16xf32>
        %swap3A_350 = arith.index_cast %add3A_321 : i32 to index
        %swap3A_351 = arith.constant 32 : index
        %swap3A_352 = tpu.vector_load %arg10[%swap3A_350, %swap3A_351] {strides = array<i32>} : memref<128x128xf32, #tpu.memory_space<vmem>>, vector<1x16xf32>,
        %swap3A_353 = vector.shape_cast %swap3A_352 : vector<1x16xf32> to vector<16xf32>
        %swap3A_354 = vector.shape_cast %mul3A_349 : vector<16xf32> to vector<1x16xf32>
        tpu.vector_store %arg10[%swap3A_350, %swap3A_351], %swap3A_354 {strides = array<i32>} : memref<128x128xf32, #tpu.memory_space<vmem>>, vector<1x16xf32>,
        %get3A_355 = arith.index_cast %add3A_321 : i32 to index
        %get3A_356 = arith.constant 48 : index
        %get3A_357 = tpu.vector_load %arg10[%get3A_355, %get3A_356] {strides = array<i32>} : memref<128x128xf32, #tpu.memory_space<vmem>>, vector<1x16xf32>,
        %get3A_358 = vector.shape_cast %get3A_357 : vector<1x16xf32> to vector<16xf32>
        %mul3A_359 = arith.mulf %get3A_358, %broadcast_in_dim3A_324 : vector<16xf32>
        %swap3A_360 = arith.index_cast %add3A_321 : i32 to index
        %swap3A_361 = arith.constant 48 : index
        %swap3A_362 = tpu.vector_load %arg10[%swap3A_360, %swap3A_361] {strides = array<i32>} : memref<128x128xf32, #tpu.memory_space<vmem>>, vector<1x16xf32>,
        %swap3A_363 = vector.shape_cast %swap3A_362 : vector<1x16xf32> to vector<16xf32>
        %swap3A_364 = vector.shape_cast %mul3A_359 : vector<16xf32> to vector<1x16xf32>
        tpu.vector_store %arg10[%swap3A_360, %swap3A_361], %swap3A_364 {strides = array<i32>} : memref<128x128xf32, #tpu.memory_space<vmem>>, vector<1x16xf32>,
        %get3A_365 = arith.index_cast %add3A_321 : i32 to index
        %get3A_366 = arith.constant 64 : index
        %get3A_367 = tpu.vector_load %arg10[%get3A_365, %get3A_366] {strides = array<i32>} : memref<128x128xf32, #tpu.memory_space<vmem>>, vector<1x16xf32>,
        %get3A_368 = vector.shape_cast %get3A_367 : vector<1x16xf32> to vector<16xf32>
        %mul3A_369 = arith.mulf %get3A_368, %broadcast_in_dim3A_324 : vector<16xf32>
        %swap3A_370 = arith.index_cast %add3A_321 : i32 to index
        %swap3A_371 = arith.constant 64 : index
        %swap3A_372 = tpu.vector_load %arg10[%swap3A_370, %swap3A_371] {strides = array<i32>} : memref<128x128xf32, #tpu.memory_space<vmem>>, vector<1x16xf32>,
        %swap3A_373 = vector.shape_cast %swap3A_372 : vector<1x16xf32> to vector<16xf32>
        %swap3A_374 = vector.shape_cast %mul3A_369 : vector<16xf32> to vector<1x16xf32>
        tpu.vector_store %arg10[%swap3A_370, %swap3A_371], %swap3A_374 {strides = array<i32>} : memref<128x128xf32, #tpu.memory_space<vmem>>, vector<1x16xf32>,
        %get3A_375 = arith.index_cast %add3A_321 : i32 to index
        %get3A_376 = arith.constant 80 : index
        %get3A_377 = tpu.vector_load %arg10[%get3A_375, %get3A_376] {strides = array<i32>} : memref<128x128xf32, #tpu.memory_space<vmem>>, vector<1x16xf32>,
        %get3A_378 = vector.shape_cast %get3A_377 : vector<1x16xf32> to vector<16xf32>
        %mul3A_379 = arith.mulf %get3A_378, %broadcast_in_dim3A_324 : vector<16xf32>
        %swap3A_380 = arith.index_cast %add3A_321 : i32 to index
        %swap3A_381 = arith.constant 80 : index
        %swap3A_382 = tpu.vector_load %arg10[%swap3A_380, %swap3A_381] {strides = array<i32>} : memref<128x128xf32, #tpu.memory_space<vmem>>, vector<1x16xf32>,
        %swap3A_383 = vector.shape_cast %swap3A_382 : vector<1x16xf32> to vector<16xf32>
        %swap3A_384 = vector.shape_cast %mul3A_379 : vector<16xf32> to vector<1x16xf32>
        tpu.vector_store %arg10[%swap3A_380, %swap3A_381], %swap3A_384 {strides = array<i32>} : memref<128x128xf32, #tpu.memory_space<vmem>>, vector<1x16xf32>,
        %get3A_385 = arith.index_cast %add3A_321 : i32 to index
        %get3A_386 = arith.constant 96 : index
        %get3A_387 = tpu.vector_load %arg10[%get3A_385, %get3A_386] {strides = array<i32>} : memref<128x128xf32, #tpu.memory_space<vmem>>, vector<1x16xf32>,
        %get3A_388 = vector.shape_cast %get3A_387 : vector<1x16xf32> to vector<16xf32>
        %mul3A_389 = arith.mulf %get3A_388, %broadcast_in_dim3A_324 : vector<16xf32>
        %swap3A_390 = arith.index_cast %add3A_321 : i32 to index
        %swap3A_391 = arith.constant 96 : index
        %swap3A_392 = tpu.vector_load %arg10[%swap3A_390, %swap3A_391] {strides = array<i32>} : memref<128x128xf32, #tpu.memory_space<vmem>>, vector<1x16xf32>,
        %swap3A_393 = vector.shape_cast %swap3A_392 : vector<1x16xf32> to vector<16xf32>
        %swap3A_394 = vector.shape_cast %mul3A_389 : vector<16xf32> to vector<1x16xf32>
        tpu.vector_store %arg10[%swap3A_390, %swap3A_391], %swap3A_394 {strides = array<i32>} : memref<128x128xf32, #tpu.memory_space<vmem>>, vector<1x16xf32>,
        %get3A_395 = arith.index_cast %add3A_321 : i32 to index
        %get3A_396 = arith.constant 112 : index
        %get3A_397 = tpu.vector_load %arg10[%get3A_395, %get3A_396] {strides = array<i32>} : memref<128x128xf32, #tpu.memory_space<vmem>>, vector<1x16xf32>,
        %get3A_398 = vector.shape_cast %get3A_397 : vector<1x16xf32> to vector<16xf32>
        %mul3A_399 = arith.mulf %get3A_398, %broadcast_in_dim3A_324 : vector<16xf32>
        %swap3A_400 = arith.index_cast %add3A_321 : i32 to index
        %swap3A_401 = arith.constant 112 : index
        %swap3A_402 = tpu.vector_load %arg10[%swap3A_400, %swap3A_401] {strides = array<i32>} : memref<128x128xf32, #tpu.memory_space<vmem>>, vector<1x16xf32>,
        %swap3A_403 = vector.shape_cast %swap3A_402 : vector<1x16xf32> to vector<16xf32>
        %swap3A_404 = vector.shape_cast %mul3A_399 : vector<16xf32> to vector<1x16xf32>
        tpu.vector_store %arg10[%swap3A_400, %swap3A_401], %swap3A_404 {strides = array<i32>} : memref<128x128xf32, #tpu.memory_space<vmem>>, vector<1x16xf32>,
        %mul3A_405 = arith.constant 16 : i32
        %mul3A_406 = arith.muli %scan3A_52, %mul3A_405 : i32
        %add3A_407 = arith.constant 4 : i32
        %add3A_408 = arith.addi %mul3A_406, %add3A_407 : i32
        %slice3A_409 = vector.extract_strided_slice %get3A_60 {offsets = [4], sizes = [1], strides = [1]} : vector<16xf32> to vector<1xf32>
        %squeeze3A_410 = vector.extract %slice3A_409[0] : f32 from vector<1xf32>
        %broadcast_in_dim3A_411 = vector.broadcast %squeeze3A_410 : f32 to vector<16xf32>
        %get3A_412 = arith.index_cast %add3A_408 : i32 to index
        %get3A_413 = arith.constant 0 : index
        %get3A_414 = tpu.vector_load %arg10[%get3A_412, %get3A_413] {strides = array<i32>} : memref<128x128xf32, #tpu.memory_space<vmem>>, vector<1x16xf32>,
        %get3A_415 = vector.shape_cast %get3A_414 : vector<1x16xf32> to vector<16xf32>
        %mul3A_416 = arith.mulf %get3A_415, %broadcast_in_dim3A_411 : vector<16xf32>
        %swap3A_417 = arith.index_cast %add3A_408 : i32 to index
        %swap3A_418 = arith.constant 0 : index
        %swap3A_419 = tpu.vector_load %arg10[%swap3A_417, %swap3A_418] {strides = array<i32>} : memref<128x128xf32, #tpu.memory_space<vmem>>, vector<1x16xf32>,
        %swap3A_420 = vector.shape_cast %swap3A_419 : vector<1x16xf32> to vector<16xf32>
        %swap3A_421 = vector.shape_cast %mul3A_416 : vector<16xf32> to vector<1x16xf32>
        tpu.vector_store %arg10[%swap3A_417, %swap3A_418], %swap3A_421 {strides = array<i32>} : memref<128x128xf32, #tpu.memory_space<vmem>>, vector<1x16xf32>,
        %get3A_422 = arith.index_cast %add3A_408 : i32 to index
        %get3A_423 = arith.constant 16 : index
        %get3A_424 = tpu.vector_load %arg10[%get3A_422, %get3A_423] {strides = array<i32>} : memref<128x128xf32, #tpu.memory_space<vmem>>, vector<1x16xf32>,
        %get3A_425 = vector.shape_cast %get3A_424 : vector<1x16xf32> to vector<16xf32>
        %mul3A_426 = arith.mulf %get3A_425, %broadcast_in_dim3A_411 : vector<16xf32>
        %swap3A_427 = arith.index_cast %add3A_408 : i32 to index
        %swap3A_428 = arith.constant 16 : index
        %swap3A_429 = tpu.vector_load %arg10[%swap3A_427, %swap3A_428] {strides = array<i32>} : memref<128x128xf32, #tpu.memory_space<vmem>>, vector<1x16xf32>,
        %swap3A_430 = vector.shape_cast %swap3A_429 : vector<1x16xf32> to vector<16xf32>
        %swap3A_431 = vector.shape_cast %mul3A_426 : vector<16xf32> to vector<1x16xf32>
        tpu.vector_store %arg10[%swap3A_427, %swap3A_428], %swap3A_431 {strides = array<i32>} : memref<128x128xf32, #tpu.memory_space<vmem>>, vector<1x16xf32>,
        %get3A_432 = arith.index_cast %add3A_408 : i32 to index
        %get3A_433 = arith.constant 32 : index
        %get3A_434 = tpu.vector_load %arg10[%get3A_432, %get3A_433] {strides = array<i32>} : memref<128x128xf32, #tpu.memory_space<vmem>>, vector<1x16xf32>,
        %get3A_435 = vector.shape_cast %get3A_434 : vector<1x16xf32> to vector<16xf32>
        %mul3A_436 = arith.mulf %get3A_435, %broadcast_in_dim3A_411 : vector<16xf32>
        %swap3A_437 = arith.index_cast %add3A_408 : i32 to index
        %swap3A_438 = arith.constant 32 : index
        %swap3A_439 = tpu.vector_load %arg10[%swap3A_437, %swap3A_438] {strides = array<i32>} : memref<128x128xf32, #tpu.memory_space<vmem>>, vector<1x16xf32>,
        %swap3A_440 = vector.shape_cast %swap3A_439 : vector<1x16xf32> to vector<16xf32>
        %swap3A_441 = vector.shape_cast %mul3A_436 : vector<16xf32> to vector<1x16xf32>
        tpu.vector_store %arg10[%swap3A_437, %swap3A_438], %swap3A_441 {strides = array<i32>} : memref<128x128xf32, #tpu.memory_space<vmem>>, vector<1x16xf32>,
        %get3A_442 = arith.index_cast %add3A_408 : i32 to index
        %get3A_443 = arith.constant 48 : index
        %get3A_444 = tpu.vector_load %arg10[%get3A_442, %get3A_443] {strides = array<i32>} : memref<128x128xf32, #tpu.memory_space<vmem>>, vector<1x16xf32>,
        %get3A_445 = vector.shape_cast %get3A_444 : vector<1x16xf32> to vector<16xf32>
        %mul3A_446 = arith.mulf %get3A_445, %broadcast_in_dim3A_411 : vector<16xf32>
        %swap3A_447 = arith.index_cast %add3A_408 : i32 to index
        %swap3A_448 = arith.constant 48 : index
        %swap3A_449 = tpu.vector_load %arg10[%swap3A_447, %swap3A_448] {strides = array<i32>} : memref<128x128xf32, #tpu.memory_space<vmem>>, vector<1x16xf32>,
        %swap3A_450 = vector.shape_cast %swap3A_449 : vector<1x16xf32> to vector<16xf32>
        %swap3A_451 = vector.shape_cast %mul3A_446 : vector<16xf32> to vector<1x16xf32>
        tpu.vector_store %arg10[%swap3A_447, %swap3A_448], %swap3A_451 {strides = array<i32>} : memref<128x128xf32, #tpu.memory_space<vmem>>, vector<1x16xf32>,
        %get3A_452 = arith.index_cast %add3A_408 : i32 to index
        %get3A_453 = arith.constant 64 : index
        %get3A_454 = tpu.vector_load %arg10[%get3A_452, %get3A_453] {strides = array<i32>} : memref<128x128xf32, #tpu.memory_space<vmem>>, vector<1x16xf32>,
        %get3A_455 = vector.shape_cast %get3A_454 : vector<1x16xf32> to vector<16xf32>
        %mul3A_456 = arith.mulf %get3A_455, %broadcast_in_dim3A_411 : vector<16xf32>
        %swap3A_457 = arith.index_cast %add3A_408 : i32 to index
        %swap3A_458 = arith.constant 64 : index
        %swap3A_459 = tpu.vector_load %arg10[%swap3A_457, %swap3A_458] {strides = array<i32>} : memref<128x128xf32, #tpu.memory_space<vmem>>, vector<1x16xf32>,
        %swap3A_460 = vector.shape_cast %swap3A_459 : vector<1x16xf32> to vector<16xf32>
        %swap3A_461 = vector.shape_cast %mul3A_456 : vector<16xf32> to vector<1x16xf32>
        tpu.vector_store %arg10[%swap3A_457, %swap3A_458], %swap3A_461 {strides = array<i32>} : memref<128x128xf32, #tpu.memory_space<vmem>>, vector<1x16xf32>,
        %get3A_462 = arith.index_cast %add3A_408 : i32 to index
        %get3A_463 = arith.constant 80 : index
        %get3A_464 = tpu.vector_load %arg10[%get3A_462, %get3A_463] {strides = array<i32>} : memref<128x128xf32, #tpu.memory_space<vmem>>, vector<1x16xf32>,
        %get3A_465 = vector.shape_cast %get3A_464 : vector<1x16xf32> to vector<16xf32>
        %mul3A_466 = arith.mulf %get3A_465, %broadcast_in_dim3A_411 : vector<16xf32>
        %swap3A_467 = arith.index_cast %add3A_408 : i32 to index
        %swap3A_468 = arith.constant 80 : index
        %swap3A_469 = tpu.vector_load %arg10[%swap3A_467, %swap3A_468] {strides = array<i32>} : memref<128x128xf32, #tpu.memory_space<vmem>>, vector<1x16xf32>,
        %swap3A_470 = vector.shape_cast %swap3A_469 : vector<1x16xf32> to vector<16xf32>
        %swap3A_471 = vector.shape_cast %mul3A_466 : vector<16xf32> to vector<1x16xf32>
        tpu.vector_store %arg10[%swap3A_467, %swap3A_468], %swap3A_471 {strides = array<i32>} : memref<128x128xf32, #tpu.memory_space<vmem>>, vector<1x16xf32>,
        %get3A_472 = arith.index_cast %add3A_408 : i32 to index
        %get3A_473 = arith.constant 96 : index
        %get3A_474 = tpu.vector_load %arg10[%get3A_472, %get3A_473] {strides = array<i32>} : memref<128x128xf32, #tpu.memory_space<vmem>>, vector<1x16xf32>,
        %get3A_475 = vector.shape_cast %get3A_474 : vector<1x16xf32> to vector<16xf32>
        %mul3A_476 = arith.mulf %get3A_475, %broadcast_in_dim3A_411 : vector<16xf32>
        %swap3A_477 = arith.index_cast %add3A_408 : i32 to index
        %swap3A_478 = arith.constant 96 : index
        %swap3A_479 = tpu.vector_load %arg10[%swap3A_477, %swap3A_478] {strides = array<i32>} : memref<128x128xf32, #tpu.memory_space<vmem>>, vector<1x16xf32>,
        %swap3A_480 = vector.shape_cast %swap3A_479 : vector<1x16xf32> to vector<16xf32>
        %swap3A_481 = vector.shape_cast %mul3A_476 : vector<16xf32> to vector<1x16xf32>
        tpu.vector_store %arg10[%swap3A_477, %swap3A_478], %swap3A_481 {strides = array<i32>} : memref<128x128xf32, #tpu.memory_space<vmem>>, vector<1x16xf32>,
        %get3A_482 = arith.index_cast %add3A_408 : i32 to index
        %get3A_483 = arith.constant 112 : index
        %get3A_484 = tpu.vector_load %arg10[%get3A_482, %get3A_483] {strides = array<i32>} : memref<128x128xf32, #tpu.memory_space<vmem>>, vector<1x16xf32>,
        %get3A_485 = vector.shape_cast %get3A_484 : vector<1x16xf32> to vector<16xf32>
        %mul3A_486 = arith.mulf %get3A_485, %broadcast_in_dim3A_411 : vector<16xf32>
        %swap3A_487 = arith.index_cast %add3A_408 : i32 to index
        %swap3A_488 = arith.constant 112 : index
        %swap3A_489 = tpu.vector_load %arg10[%swap3A_487, %swap3A_488] {strides = array<i32>} : memref<128x128xf32, #tpu.memory_space<vmem>>, vector<1x16xf32>,
        %swap3A_490 = vector.shape_cast %swap3A_489 : vector<1x16xf32> to vector<16xf32>
        %swap3A_491 = vector.shape_cast %mul3A_486 : vector<16xf32> to vector<1x16xf32>
        tpu.vector_store %arg10[%swap3A_487, %swap3A_488], %swap3A_491 {strides = array<i32>} : memref<128x128xf32, #tpu.memory_space<vmem>>, vector<1x16xf32>,
        %mul3A_492 = arith.constant 16 : i32
        %mul3A_493 = arith.muli %scan3A_52, %mul3A_492 : i32
        %add3A_494 = arith.constant 5 : i32
        %add3A_495 = arith.addi %mul3A_493, %add3A_494 : i32
        %slice3A_496 = vector.extract_strided_slice %get3A_60 {offsets = [5], sizes = [1], strides = [1]} : vector<16xf32> to vector<1xf32>
        %squeeze3A_497 = vector.extract %slice3A_496[0] : f32 from vector<1xf32>
        %broadcast_in_dim3A_498 = vector.broadcast %squeeze3A_497 : f32 to vector<16xf32>
        %get3A_499 = arith.index_cast %add3A_495 : i32 to index
        %get3A_500 = arith.constant 0 : index
        %get3A_501 = tpu.vector_load %arg10[%get3A_499, %get3A_500] {strides = array<i32>} : memref<128x128xf32, #tpu.memory_space<vmem>>, vector<1x16xf32>,
        %get3A_502 = vector.shape_cast %get3A_501 : vector<1x16xf32> to vector<16xf32>
        %mul3A_503 = arith.mulf %get3A_502, %broadcast_in_dim3A_498 : vector<16xf32>
        %swap3A_504 = arith.index_cast %add3A_495 : i32 to index
        %swap3A_505 = arith.constant 0 : index
        %swap3A_506 = tpu.vector_load %arg10[%swap3A_504, %swap3A_505] {strides = array<i32>} : memref<128x128xf32, #tpu.memory_space<vmem>>, vector<1x16xf32>,
        %swap3A_507 = vector.shape_cast %swap3A_506 : vector<1x16xf32> to vector<16xf32>
        %swap3A_508 = vector.shape_cast %mul3A_503 : vector<16xf32> to vector<1x16xf32>
        tpu.vector_store %arg10[%swap3A_504, %swap3A_505], %swap3A_508 {strides = array<i32>} : memref<128x128xf32, #tpu.memory_space<vmem>>, vector<1x16xf32>,
        %get3A_509 = arith.index_cast %add3A_495 : i32 to index
        %get3A_510 = arith.constant 16 : index
        %get3A_511 = tpu.vector_load %arg10[%get3A_509, %get3A_510] {strides = array<i32>} : memref<128x128xf32, #tpu.memory_space<vmem>>, vector<1x16xf32>,
        %get3A_512 = vector.shape_cast %get3A_511 : vector<1x16xf32> to vector<16xf32>
        %mul3A_513 = arith.mulf %get3A_512, %broadcast_in_dim3A_498 : vector<16xf32>
        %swap3A_514 = arith.index_cast %add3A_495 : i32 to index
        %swap3A_515 = arith.constant 16 : index
        %swap3A_516 = tpu.vector_load %arg10[%swap3A_514, %swap3A_515] {strides = array<i32>} : memref<128x128xf32, #tpu.memory_space<vmem>>, vector<1x16xf32>,
        %swap3A_517 = vector.shape_cast %swap3A_516 : vector<1x16xf32> to vector<16xf32>
        %swap3A_518 = vector.shape_cast %mul3A_513 : vector<16xf32> to vector<1x16xf32>
        tpu.vector_store %arg10[%swap3A_514, %swap3A_515], %swap3A_518 {strides = array<i32>} : memref<128x128xf32, #tpu.memory_space<vmem>>, vector<1x16xf32>,
        %get3A_519 = arith.index_cast %add3A_495 : i32 to index
        %get3A_520 = arith.constant 32 : index
        %get3A_521 = tpu.vector_load %arg10[%get3A_519, %get3A_520] {strides = array<i32>} : memref<128x128xf32, #tpu.memory_space<vmem>>, vector<1x16xf32>,
        %get3A_522 = vector.shape_cast %get3A_521 : vector<1x16xf32> to vector<16xf32>
        %mul3A_523 = arith.mulf %get3A_522, %broadcast_in_dim3A_498 : vector<16xf32>
        %swap3A_524 = arith.index_cast %add3A_495 : i32 to index
        %swap3A_525 = arith.constant 32 : index
        %swap3A_526 = tpu.vector_load %arg10[%swap3A_524, %swap3A_525] {strides = array<i32>} : memref<128x128xf32, #tpu.memory_space<vmem>>, vector<1x16xf32>,
        %swap3A_527 = vector.shape_cast %swap3A_526 : vector<1x16xf32> to vector<16xf32>
        %swap3A_528 = vector.shape_cast %mul3A_523 : vector<16xf32> to vector<1x16xf32>
        tpu.vector_store %arg10[%swap3A_524, %swap3A_525], %swap3A_528 {strides = array<i32>} : memref<128x128xf32, #tpu.memory_space<vmem>>, vector<1x16xf32>,
        %get3A_529 = arith.index_cast %add3A_495 : i32 to index
        %get3A_530 = arith.constant 48 : index
        %get3A_531 = tpu.vector_load %arg10[%get3A_529, %get3A_530] {strides = array<i32>} : memref<128x128xf32, #tpu.memory_space<vmem>>, vector<1x16xf32>,
        %get3A_532 = vector.shape_cast %get3A_531 : vector<1x16xf32> to vector<16xf32>
        %mul3A_533 = arith.mulf %get3A_532, %broadcast_in_dim3A_498 : vector<16xf32>
        %swap3A_534 = arith.index_cast %add3A_495 : i32 to index
        %swap3A_535 = arith.constant 48 : index
        %swap3A_536 = tpu.vector_load %arg10[%swap3A_534, %swap3A_535] {strides = array<i32>} : memref<128x128xf32, #tpu.memory_space<vmem>>, vector<1x16xf32>,
        %swap3A_537 = vector.shape_cast %swap3A_536 : vector<1x16xf32> to vector<16xf32>
        %swap3A_538 = vector.shape_cast %mul3A_533 : vector<16xf32> to vector<1x16xf32>
        tpu.vector_store %arg10[%swap3A_534, %swap3A_535], %swap3A_538 {strides = array<i32>} : memref<128x128xf32, #tpu.memory_space<vmem>>, vector<1x16xf32>,
        %get3A_539 = arith.index_cast %add3A_495 : i32 to index
        %get3A_540 = arith.constant 64 : index
        %get3A_541 = tpu.vector_load %arg10[%get3A_539, %get3A_540] {strides = array<i32>} : memref<128x128xf32, #tpu.memory_space<vmem>>, vector<1x16xf32>,
        %get3A_542 = vector.shape_cast %get3A_541 : vector<1x16xf32> to vector<16xf32>
        %mul3A_543 = arith.mulf %get3A_542, %broadcast_in_dim3A_498 : vector<16xf32>
        %swap3A_544 = arith.index_cast %add3A_495 : i32 to index
        %swap3A_545 = arith.constant 64 : index
        %swap3A_546 = tpu.vector_load %arg10[%swap3A_544, %swap3A_545] {strides = array<i32>} : memref<128x128xf32, #tpu.memory_space<vmem>>, vector<1x16xf32>,
        %swap3A_547 = vector.shape_cast %swap3A_546 : vector<1x16xf32> to vector<16xf32>
        %swap3A_548 = vector.shape_cast %mul3A_543 : vector<16xf32> to vector<1x16xf32>
        tpu.vector_store %arg10[%swap3A_544, %swap3A_545], %swap3A_548 {strides = array<i32>} : memref<128x128xf32, #tpu.memory_space<vmem>>, vector<1x16xf32>,
        %get3A_549 = arith.index_cast %add3A_495 : i32 to index
        %get3A_550 = arith.constant 80 : index
        %get3A_551 = tpu.vector_load %arg10[%get3A_549, %get3A_550] {strides = array<i32>} : memref<128x128xf32, #tpu.memory_space<vmem>>, vector<1x16xf32>,
        %get3A_552 = vector.shape_cast %get3A_551 : vector<1x16xf32> to vector<16xf32>
        %mul3A_553 = arith.mulf %get3A_552, %broadcast_in_dim3A_498 : vector<16xf32>
        %swap3A_554 = arith.index_cast %add3A_495 : i32 to index
        %swap3A_555 = arith.constant 80 : index
        %swap3A_556 = tpu.vector_load %arg10[%swap3A_554, %swap3A_555] {strides = array<i32>} : memref<128x128xf32, #tpu.memory_space<vmem>>, vector<1x16xf32>,
        %swap3A_557 = vector.shape_cast %swap3A_556 : vector<1x16xf32> to vector<16xf32>
        %swap3A_558 = vector.shape_cast %mul3A_553 : vector<16xf32> to vector<1x16xf32>
        tpu.vector_store %arg10[%swap3A_554, %swap3A_555], %swap3A_558 {strides = array<i32>} : memref<128x128xf32, #tpu.memory_space<vmem>>, vector<1x16xf32>,
        %get3A_559 = arith.index_cast %add3A_495 : i32 to index
        %get3A_560 = arith.constant 96 : index
        %get3A_561 = tpu.vector_load %arg10[%get3A_559, %get3A_560] {strides = array<i32>} : memref<128x128xf32, #tpu.memory_space<vmem>>, vector<1x16xf32>,
        %get3A_562 = vector.shape_cast %get3A_561 : vector<1x16xf32> to vector<16xf32>
        %mul3A_563 = arith.mulf %get3A_562, %broadcast_in_dim3A_498 : vector<16xf32>
        %swap3A_564 = arith.index_cast %add3A_495 : i32 to index
        %swap3A_565 = arith.constant 96 : index
        %swap3A_566 = tpu.vector_load %arg10[%swap3A_564, %swap3A_565] {strides = array<i32>} : memref<128x128xf32, #tpu.memory_space<vmem>>, vector<1x16xf32>,
        %swap3A_567 = vector.shape_cast %swap3A_566 : vector<1x16xf32> to vector<16xf32>
        %swap3A_568 = vector.shape_cast %mul3A_563 : vector<16xf32> to vector<1x16xf32>
        tpu.vector_store %arg10[%swap3A_564, %swap3A_565], %swap3A_568 {strides = array<i32>} : memref<128x128xf32, #tpu.memory_space<vmem>>, vector<1x16xf32>,
        %get3A_569 = arith.index_cast %add3A_495 : i32 to index
        %get3A_570 = arith.constant 112 : index
        %get3A_571 = tpu.vector_load %arg10[%get3A_569, %get3A_570] {strides = array<i32>} : memref<128x128xf32, #tpu.memory_space<vmem>>, vector<1x16xf32>,
        %get3A_572 = vector.shape_cast %get3A_571 : vector<1x16xf32> to vector<16xf32>
        %mul3A_573 = arith.mulf %get3A_572, %broadcast_in_dim3A_498 : vector<16xf32>
        %swap3A_574 = arith.index_cast %add3A_495 : i32 to index
        %swap3A_575 = arith.constant 112 : index
        %swap3A_576 = tpu.vector_load %arg10[%swap3A_574, %swap3A_575] {strides = array<i32>} : memref<128x128xf32, #tpu.memory_space<vmem>>, vector<1x16xf32>,
        %swap3A_577 = vector.shape_cast %swap3A_576 : vector<1x16xf32> to vector<16xf32>
        %swap3A_578 = vector.shape_cast %mul3A_573 : vector<16xf32> to vector<1x16xf32>
        tpu.vector_store %arg10[%swap3A_574, %swap3A_575], %swap3A_578 {strides = array<i32>} : memref<128x128xf32, #tpu.memory_space<vmem>>, vector<1x16xf32>,
        %mul3A_579 = arith.constant 16 : i32
        %mul3A_580 = arith.muli %scan3A_52, %mul3A_579 : i32
        %add3A_581 = arith.constant 6 : i32
        %add3A_582 = arith.addi %mul3A_580, %add3A_581 : i32
        %slice3A_583 = vector.extract_strided_slice %get3A_60 {offsets = [6], sizes = [1], strides = [1]} : vector<16xf32> to vector<1xf32>
        %squeeze3A_584 = vector.extract %slice3A_583[0] : f32 from vector<1xf32>
        %broadcast_in_dim3A_585 = vector.broadcast %squeeze3A_584 : f32 to vector<16xf32>
        %get3A_586 = arith.index_cast %add3A_582 : i32 to index
        %get3A_587 = arith.constant 0 : index
        %get3A_588 = tpu.vector_load %arg10[%get3A_586, %get3A_587] {strides = array<i32>} : memref<128x128xf32, #tpu.memory_space<vmem>>, vector<1x16xf32>,
        %get3A_589 = vector.shape_cast %get3A_588 : vector<1x16xf32> to vector<16xf32>
        %mul3A_590 = arith.mulf %get3A_589, %broadcast_in_dim3A_585 : vector<16xf32>
        %swap3A_591 = arith.index_cast %add3A_582 : i32 to index
        %swap3A_592 = arith.constant 0 : index
        %swap3A_593 = tpu.vector_load %arg10[%swap3A_591, %swap3A_592] {strides = array<i32>} : memref<128x128xf32, #tpu.memory_space<vmem>>, vector<1x16xf32>,
        %swap3A_594 = vector.shape_cast %swap3A_593 : vector<1x16xf32> to vector<16xf32>
        %swap3A_595 = vector.shape_cast %mul3A_590 : vector<16xf32> to vector<1x16xf32>
        tpu.vector_store %arg10[%swap3A_591, %swap3A_592], %swap3A_595 {strides = array<i32>} : memref<128x128xf32, #tpu.memory_space<vmem>>, vector<1x16xf32>,
        %get3A_596 = arith.index_cast %add3A_582 : i32 to index
        %get3A_597 = arith.constant 16 : index
        %get3A_598 = tpu.vector_load %arg10[%get3A_596, %get3A_597] {strides = array<i32>} : memref<128x128xf32, #tpu.memory_space<vmem>>, vector<1x16xf32>,
        %get3A_599 = vector.shape_cast %get3A_598 : vector<1x16xf32> to vector<16xf32>
        %mul3A_600 = arith.mulf %get3A_599, %broadcast_in_dim3A_585 : vector<16xf32>
        %swap3A_601 = arith.index_cast %add3A_582 : i32 to index
        %swap3A_602 = arith.constant 16 : index
        %swap3A_603 = tpu.vector_load %arg10[%swap3A_601, %swap3A_602] {strides = array<i32>} : memref<128x128xf32, #tpu.memory_space<vmem>>, vector<1x16xf32>,
        %swap3A_604 = vector.shape_cast %swap3A_603 : vector<1x16xf32> to vector<16xf32>
        %swap3A_605 = vector.shape_cast %mul3A_600 : vector<16xf32> to vector<1x16xf32>
        tpu.vector_store %arg10[%swap3A_601, %swap3A_602], %swap3A_605 {strides = array<i32>} : memref<128x128xf32, #tpu.memory_space<vmem>>, vector<1x16xf32>,
        %get3A_606 = arith.index_cast %add3A_582 : i32 to index
        %get3A_607 = arith.constant 32 : index
        %get3A_608 = tpu.vector_load %arg10[%get3A_606, %get3A_607] {strides = array<i32>} : memref<128x128xf32, #tpu.memory_space<vmem>>, vector<1x16xf32>,
        %get3A_609 = vector.shape_cast %get3A_608 : vector<1x16xf32> to vector<16xf32>
        %mul3A_610 = arith.mulf %get3A_609, %broadcast_in_dim3A_585 : vector<16xf32>
        %swap3A_611 = arith.index_cast %add3A_582 : i32 to index
        %swap3A_612 = arith.constant 32 : index
        %swap3A_613 = tpu.vector_load %arg10[%swap3A_611, %swap3A_612] {strides = array<i32>} : memref<128x128xf32, #tpu.memory_space<vmem>>, vector<1x16xf32>,
        %swap3A_614 = vector.shape_cast %swap3A_613 : vector<1x16xf32> to vector<16xf32>
        %swap3A_615 = vector.shape_cast %mul3A_610 : vector<16xf32> to vector<1x16xf32>
        tpu.vector_store %arg10[%swap3A_611, %swap3A_612], %swap3A_615 {strides = array<i32>} : memref<128x128xf32, #tpu.memory_space<vmem>>, vector<1x16xf32>,
        %get3A_616 = arith.index_cast %add3A_582 : i32 to index
        %get3A_617 = arith.constant 48 : index
        %get3A_618 = tpu.vector_load %arg10[%get3A_616, %get3A_617] {strides = array<i32>} : memref<128x128xf32, #tpu.memory_space<vmem>>, vector<1x16xf32>,
        %get3A_619 = vector.shape_cast %get3A_618 : vector<1x16xf32> to vector<16xf32>
        %mul3A_620 = arith.mulf %get3A_619, %broadcast_in_dim3A_585 : vector<16xf32>
        %swap3A_621 = arith.index_cast %add3A_582 : i32 to index
        %swap3A_622 = arith.constant 48 : index
        %swap3A_623 = tpu.vector_load %arg10[%swap3A_621, %swap3A_622] {strides = array<i32>} : memref<128x128xf32, #tpu.memory_space<vmem>>, vector<1x16xf32>,
        %swap3A_624 = vector.shape_cast %swap3A_623 : vector<1x16xf32> to vector<16xf32>
        %swap3A_625 = vector.shape_cast %mul3A_620 : vector<16xf32> to vector<1x16xf32>
        tpu.vector_store %arg10[%swap3A_621, %swap3A_622], %swap3A_625 {strides = array<i32>} : memref<128x128xf32, #tpu.memory_space<vmem>>, vector<1x16xf32>,
        %get3A_626 = arith.index_cast %add3A_582 : i32 to index
        %get3A_627 = arith.constant 64 : index
        %get3A_628 = tpu.vector_load %arg10[%get3A_626, %get3A_627] {strides = array<i32>} : memref<128x128xf32, #tpu.memory_space<vmem>>, vector<1x16xf32>,
        %get3A_629 = vector.shape_cast %get3A_628 : vector<1x16xf32> to vector<16xf32>
        %mul3A_630 = arith.mulf %get3A_629, %broadcast_in_dim3A_585 : vector<16xf32>
        %swap3A_631 = arith.index_cast %add3A_582 : i32 to index
        %swap3A_632 = arith.constant 64 : index
        %swap3A_633 = tpu.vector_load %arg10[%swap3A_631, %swap3A_632] {strides = array<i32>} : memref<128x128xf32, #tpu.memory_space<vmem>>, vector<1x16xf32>,
        %swap3A_634 = vector.shape_cast %swap3A_633 : vector<1x16xf32> to vector<16xf32>
        %swap3A_635 = vector.shape_cast %mul3A_630 : vector<16xf32> to vector<1x16xf32>
        tpu.vector_store %arg10[%swap3A_631, %swap3A_632], %swap3A_635 {strides = array<i32>} : memref<128x128xf32, #tpu.memory_space<vmem>>, vector<1x16xf32>,
        %get3A_636 = arith.index_cast %add3A_582 : i32 to index
        %get3A_637 = arith.constant 80 : index
        %get3A_638 = tpu.vector_load %arg10[%get3A_636, %get3A_637] {strides = array<i32>} : memref<128x128xf32, #tpu.memory_space<vmem>>, vector<1x16xf32>,
        %get3A_639 = vector.shape_cast %get3A_638 : vector<1x16xf32> to vector<16xf32>
        %mul3A_640 = arith.mulf %get3A_639, %broadcast_in_dim3A_585 : vector<16xf32>
        %swap3A_641 = arith.index_cast %add3A_582 : i32 to index
        %swap3A_642 = arith.constant 80 : index
        %swap3A_643 = tpu.vector_load %arg10[%swap3A_641, %swap3A_642] {strides = array<i32>} : memref<128x128xf32, #tpu.memory_space<vmem>>, vector<1x16xf32>,
        %swap3A_644 = vector.shape_cast %swap3A_643 : vector<1x16xf32> to vector<16xf32>
        %swap3A_645 = vector.shape_cast %mul3A_640 : vector<16xf32> to vector<1x16xf32>
        tpu.vector_store %arg10[%swap3A_641, %swap3A_642], %swap3A_645 {strides = array<i32>} : memref<128x128xf32, #tpu.memory_space<vmem>>, vector<1x16xf32>,
        %get3A_646 = arith.index_cast %add3A_582 : i32 to index
        %get3A_647 = arith.constant 96 : index
        %get3A_648 = tpu.vector_load %arg10[%get3A_646, %get3A_647] {strides = array<i32>} : memref<128x128xf32, #tpu.memory_space<vmem>>, vector<1x16xf32>,
        %get3A_649 = vector.shape_cast %get3A_648 : vector<1x16xf32> to vector<16xf32>
        %mul3A_650 = arith.mulf %get3A_649, %broadcast_in_dim3A_585 : vector<16xf32>
        %swap3A_651 = arith.index_cast %add3A_582 : i32 to index
        %swap3A_652 = arith.constant 96 : index
        %swap3A_653 = tpu.vector_load %arg10[%swap3A_651, %swap3A_652] {strides = array<i32>} : memref<128x128xf32, #tpu.memory_space<vmem>>, vector<1x16xf32>,
        %swap3A_654 = vector.shape_cast %swap3A_653 : vector<1x16xf32> to vector<16xf32>
        %swap3A_655 = vector.shape_cast %mul3A_650 : vector<16xf32> to vector<1x16xf32>
        tpu.vector_store %arg10[%swap3A_651, %swap3A_652], %swap3A_655 {strides = array<i32>} : memref<128x128xf32, #tpu.memory_space<vmem>>, vector<1x16xf32>,
        %get3A_656 = arith.index_cast %add3A_582 : i32 to index
        %get3A_657 = arith.constant 112 : index
        %get3A_658 = tpu.vector_load %arg10[%get3A_656, %get3A_657] {strides = array<i32>} : memref<128x128xf32, #tpu.memory_space<vmem>>, vector<1x16xf32>,
        %get3A_659 = vector.shape_cast %get3A_658 : vector<1x16xf32> to vector<16xf32>
        %mul3A_660 = arith.mulf %get3A_659, %broadcast_in_dim3A_585 : vector<16xf32>
        %swap3A_661 = arith.index_cast %add3A_582 : i32 to index
        %swap3A_662 = arith.constant 112 : index
        %swap3A_663 = tpu.vector_load %arg10[%swap3A_661, %swap3A_662] {strides = array<i32>} : memref<128x128xf32, #tpu.memory_space<vmem>>, vector<1x16xf32>,
        %swap3A_664 = vector.shape_cast %swap3A_663 : vector<1x16xf32> to vector<16xf32>
        %swap3A_665 = vector.shape_cast %mul3A_660 : vector<16xf32> to vector<1x16xf32>
        tpu.vector_store %arg10[%swap3A_661, %swap3A_662], %swap3A_665 {strides = array<i32>} : memref<128x128xf32, #tpu.memory_space<vmem>>, vector<1x16xf32>,
        %mul3A_666 = arith.constant 16 : i32
        %mul3A_667 = arith.muli %scan3A_52, %mul3A_666 : i32
        %add3A_668 = arith.constant 7 : i32
        %add3A_669 = arith.addi %mul3A_667, %add3A_668 : i32
        %slice3A_670 = vector.extract_strided_slice %get3A_60 {offsets = [7], sizes = [1], strides = [1]} : vector<16xf32> to vector<1xf32>
        %squeeze3A_671 = vector.extract %slice3A_670[0] : f32 from vector<1xf32>
        %broadcast_in_dim3A_672 = vector.broadcast %squeeze3A_671 : f32 to vector<16xf32>
        %get3A_673 = arith.index_cast %add3A_669 : i32 to index
        %get3A_674 = arith.constant 0 : index
        %get3A_675 = tpu.vector_load %arg10[%get3A_673, %get3A_674] {strides = array<i32>} : memref<128x128xf32, #tpu.memory_space<vmem>>, vector<1x16xf32>,
        %get3A_676 = vector.shape_cast %get3A_675 : vector<1x16xf32> to vector<16xf32>
        %mul3A_677 = arith.mulf %get3A_676, %broadcast_in_dim3A_672 : vector<16xf32>
        %swap3A_678 = arith.index_cast %add3A_669 : i32 to index
        %swap3A_679 = arith.constant 0 : index
        %swap3A_680 = tpu.vector_load %arg10[%swap3A_678, %swap3A_679] {strides = array<i32>} : memref<128x128xf32, #tpu.memory_space<vmem>>, vector<1x16xf32>,
        %swap3A_681 = vector.shape_cast %swap3A_680 : vector<1x16xf32> to vector<16xf32>
        %swap3A_682 = vector.shape_cast %mul3A_677 : vector<16xf32> to vector<1x16xf32>
        tpu.vector_store %arg10[%swap3A_678, %swap3A_679], %swap3A_682 {strides = array<i32>} : memref<128x128xf32, #tpu.memory_space<vmem>>, vector<1x16xf32>,
        %get3A_683 = arith.index_cast %add3A_669 : i32 to index
        %get3A_684 = arith.constant 16 : index
        %get3A_685 = tpu.vector_load %arg10[%get3A_683, %get3A_684] {strides = array<i32>} : memref<128x128xf32, #tpu.memory_space<vmem>>, vector<1x16xf32>,
        %get3A_686 = vector.shape_cast %get3A_685 : vector<1x16xf32> to vector<16xf32>
        %mul3A_687 = arith.mulf %get3A_686, %broadcast_in_dim3A_672 : vector<16xf32>
        %swap3A_688 = arith.index_cast %add3A_669 : i32 to index
        %swap3A_689 = arith.constant 16 : index
        %swap3A_690 = tpu.vector_load %arg10[%swap3A_688, %swap3A_689] {strides = array<i32>} : memref<128x128xf32, #tpu.memory_space<vmem>>, vector<1x16xf32>,
        %swap3A_691 = vector.shape_cast %swap3A_690 : vector<1x16xf32> to vector<16xf32>
        %swap3A_692 = vector.shape_cast %mul3A_687 : vector<16xf32> to vector<1x16xf32>
        tpu.vector_store %arg10[%swap3A_688, %swap3A_689], %swap3A_692 {strides = array<i32>} : memref<128x128xf32, #tpu.memory_space<vmem>>, vector<1x16xf32>,
        %get3A_693 = arith.index_cast %add3A_669 : i32 to index
        %get3A_694 = arith.constant 32 : index
        %get3A_695 = tpu.vector_load %arg10[%get3A_693, %get3A_694] {strides = array<i32>} : memref<128x128xf32, #tpu.memory_space<vmem>>, vector<1x16xf32>,
        %get3A_696 = vector.shape_cast %get3A_695 : vector<1x16xf32> to vector<16xf32>
        %mul3A_697 = arith.mulf %get3A_696, %broadcast_in_dim3A_672 : vector<16xf32>
        %swap3A_698 = arith.index_cast %add3A_669 : i32 to index
        %swap3A_699 = arith.constant 32 : index
        %swap3A_700 = tpu.vector_load %arg10[%swap3A_698, %swap3A_699] {strides = array<i32>} : memref<128x128xf32, #tpu.memory_space<vmem>>, vector<1x16xf32>,
        %swap3A_701 = vector.shape_cast %swap3A_700 : vector<1x16xf32> to vector<16xf32>
        %swap3A_702 = vector.shape_cast %mul3A_697 : vector<16xf32> to vector<1x16xf32>
        tpu.vector_store %arg10[%swap3A_698, %swap3A_699], %swap3A_702 {strides = array<i32>} : memref<128x128xf32, #tpu.memory_space<vmem>>, vector<1x16xf32>,
        %get3A_703 = arith.index_cast %add3A_669 : i32 to index
        %get3A_704 = arith.constant 48 : index
        %get3A_705 = tpu.vector_load %arg10[%get3A_703, %get3A_704] {strides = array<i32>} : memref<128x128xf32, #tpu.memory_space<vmem>>, vector<1x16xf32>,
        %get3A_706 = vector.shape_cast %get3A_705 : vector<1x16xf32> to vector<16xf32>
        %mul3A_707 = arith.mulf %get3A_706, %broadcast_in_dim3A_672 : vector<16xf32>
        %swap3A_708 = arith.index_cast %add3A_669 : i32 to index
        %swap3A_709 = arith.constant 48 : index
        %swap3A_710 = tpu.vector_load %arg10[%swap3A_708, %swap3A_709] {strides = array<i32>} : memref<128x128xf32, #tpu.memory_space<vmem>>, vector<1x16xf32>,
        %swap3A_711 = vector.shape_cast %swap3A_710 : vector<1x16xf32> to vector<16xf32>
        %swap3A_712 = vector.shape_cast %mul3A_707 : vector<16xf32> to vector<1x16xf32>
        tpu.vector_store %arg10[%swap3A_708, %swap3A_709], %swap3A_712 {strides = array<i32>} : memref<128x128xf32, #tpu.memory_space<vmem>>, vector<1x16xf32>,
        %get3A_713 = arith.index_cast %add3A_669 : i32 to index
        %get3A_714 = arith.constant 64 : index
        %get3A_715 = tpu.vector_load %arg10[%get3A_713, %get3A_714] {strides = array<i32>} : memref<128x128xf32, #tpu.memory_space<vmem>>, vector<1x16xf32>,
        %get3A_716 = vector.shape_cast %get3A_715 : vector<1x16xf32> to vector<16xf32>
        %mul3A_717 = arith.mulf %get3A_716, %broadcast_in_dim3A_672 : vector<16xf32>
        %swap3A_718 = arith.index_cast %add3A_669 : i32 to index
        %swap3A_719 = arith.constant 64 : index
        %swap3A_720 = tpu.vector_load %arg10[%swap3A_718, %swap3A_719] {strides = array<i32>} : memref<128x128xf32, #tpu.memory_space<vmem>>, vector<1x16xf32>,
        %swap3A_721 = vector.shape_cast %swap3A_720 : vector<1x16xf32> to vector<16xf32>
        %swap3A_722 = vector.shape_cast %mul3A_717 : vector<16xf32> to vector<1x16xf32>
        tpu.vector_store %arg10[%swap3A_718, %swap3A_719], %swap3A_722 {strides = array<i32>} : memref<128x128xf32, #tpu.memory_space<vmem>>, vector<1x16xf32>,
        %get3A_723 = arith.index_cast %add3A_669 : i32 to index
        %get3A_724 = arith.constant 80 : index
        %get3A_725 = tpu.vector_load %arg10[%get3A_723, %get3A_724] {strides = array<i32>} : memref<128x128xf32, #tpu.memory_space<vmem>>, vector<1x16xf32>,
        %get3A_726 = vector.shape_cast %get3A_725 : vector<1x16xf32> to vector<16xf32>
        %mul3A_727 = arith.mulf %get3A_726, %broadcast_in_dim3A_672 : vector<16xf32>
        %swap3A_728 = arith.index_cast %add3A_669 : i32 to index
        %swap3A_729 = arith.constant 80 : index
        %swap3A_730 = tpu.vector_load %arg10[%swap3A_728, %swap3A_729] {strides = array<i32>} : memref<128x128xf32, #tpu.memory_space<vmem>>, vector<1x16xf32>,
        %swap3A_731 = vector.shape_cast %swap3A_730 : vector<1x16xf32> to vector<16xf32>
        %swap3A_732 = vector.shape_cast %mul3A_727 : vector<16xf32> to vector<1x16xf32>
        tpu.vector_store %arg10[%swap3A_728, %swap3A_729], %swap3A_732 {strides = array<i32>} : memref<128x128xf32, #tpu.memory_space<vmem>>, vector<1x16xf32>,
        %get3A_733 = arith.index_cast %add3A_669 : i32 to index
        %get3A_734 = arith.constant 96 : index
        %get3A_735 = tpu.vector_load %arg10[%get3A_733, %get3A_734] {strides = array<i32>} : memref<128x128xf32, #tpu.memory_space<vmem>>, vector<1x16xf32>,
        %get3A_736 = vector.shape_cast %get3A_735 : vector<1x16xf32> to vector<16xf32>
        %mul3A_737 = arith.mulf %get3A_736, %broadcast_in_dim3A_672 : vector<16xf32>
        %swap3A_738 = arith.index_cast %add3A_669 : i32 to index
        %swap3A_739 = arith.constant 96 : index
        %swap3A_740 = tpu.vector_load %arg10[%swap3A_738, %swap3A_739] {strides = array<i32>} : memref<128x128xf32, #tpu.memory_space<vmem>>, vector<1x16xf32>,
        %swap3A_741 = vector.shape_cast %swap3A_740 : vector<1x16xf32> to vector<16xf32>
        %swap3A_742 = vector.shape_cast %mul3A_737 : vector<16xf32> to vector<1x16xf32>
        tpu.vector_store %arg10[%swap3A_738, %swap3A_739], %swap3A_742 {strides = array<i32>} : memref<128x128xf32, #tpu.memory_space<vmem>>, vector<1x16xf32>,
        %get3A_743 = arith.index_cast %add3A_669 : i32 to index
        %get3A_744 = arith.constant 112 : index
        %get3A_745 = tpu.vector_load %arg10[%get3A_743, %get3A_744] {strides = array<i32>} : memref<128x128xf32, #tpu.memory_space<vmem>>, vector<1x16xf32>,
        %get3A_746 = vector.shape_cast %get3A_745 : vector<1x16xf32> to vector<16xf32>
        %mul3A_747 = arith.mulf %get3A_746, %broadcast_in_dim3A_672 : vector<16xf32>
        %swap3A_748 = arith.index_cast %add3A_669 : i32 to index
        %swap3A_749 = arith.constant 112 : index
        %swap3A_750 = tpu.vector_load %arg10[%swap3A_748, %swap3A_749] {strides = array<i32>} : memref<128x128xf32, #tpu.memory_space<vmem>>, vector<1x16xf32>,
        %swap3A_751 = vector.shape_cast %swap3A_750 : vector<1x16xf32> to vector<16xf32>
        %swap3A_752 = vector.shape_cast %mul3A_747 : vector<16xf32> to vector<1x16xf32>
        tpu.vector_store %arg10[%swap3A_748, %swap3A_749], %swap3A_752 {strides = array<i32>} : memref<128x128xf32, #tpu.memory_space<vmem>>, vector<1x16xf32>,
        %mul3A_753 = arith.constant 16 : i32
        %mul3A_754 = arith.muli %scan3A_52, %mul3A_753 : i32
        %add3A_755 = arith.constant 8 : i32
        %add3A_756 = arith.addi %mul3A_754, %add3A_755 : i32
        %slice3A_757 = vector.extract_strided_slice %get3A_60 {offsets = [8], sizes = [1], strides = [1]} : vector<16xf32> to vector<1xf32>
        %squeeze3A_758 = vector.extract %slice3A_757[0] : f32 from vector<1xf32>
        %broadcast_in_dim3A_759 = vector.broadcast %squeeze3A_758 : f32 to vector<16xf32>
        %get3A_760 = arith.index_cast %add3A_756 : i32 to index
        %get3A_761 = arith.constant 0 : index
        %get3A_762 = tpu.vector_load %arg10[%get3A_760, %get3A_761] {strides = array<i32>} : memref<128x128xf32, #tpu.memory_space<vmem>>, vector<1x16xf32>,
        %get3A_763 = vector.shape_cast %get3A_762 : vector<1x16xf32> to vector<16xf32>
        %mul3A_764 = arith.mulf %get3A_763, %broadcast_in_dim3A_759 : vector<16xf32>
        %swap3A_765 = arith.index_cast %add3A_756 : i32 to index
        %swap3A_766 = arith.constant 0 : index
        %swap3A_767 = tpu.vector_load %arg10[%swap3A_765, %swap3A_766] {strides = array<i32>} : memref<128x128xf32, #tpu.memory_space<vmem>>, vector<1x16xf32>,
        %swap3A_768 = vector.shape_cast %swap3A_767 : vector<1x16xf32> to vector<16xf32>
        %swap3A_769 = vector.shape_cast %mul3A_764 : vector<16xf32> to vector<1x16xf32>
        tpu.vector_store %arg10[%swap3A_765, %swap3A_766], %swap3A_769 {strides = array<i32>} : memref<128x128xf32, #tpu.memory_space<vmem>>, vector<1x16xf32>,
        %get3A_770 = arith.index_cast %add3A_756 : i32 to index
        %get3A_771 = arith.constant 16 : index
        %get3A_772 = tpu.vector_load %arg10[%get3A_770, %get3A_771] {strides = array<i32>} : memref<128x128xf32, #tpu.memory_space<vmem>>, vector<1x16xf32>,
        %get3A_773 = vector.shape_cast %get3A_772 : vector<1x16xf32> to vector<16xf32>
        %mul3A_774 = arith.mulf %get3A_773, %broadcast_in_dim3A_759 : vector<16xf32>
        %swap3A_775 = arith.index_cast %add3A_756 : i32 to index
        %swap3A_776 = arith.constant 16 : index
        %swap3A_777 = tpu.vector_load %arg10[%swap3A_775, %swap3A_776] {strides = array<i32>} : memref<128x128xf32, #tpu.memory_space<vmem>>, vector<1x16xf32>,
        %swap3A_778 = vector.shape_cast %swap3A_777 : vector<1x16xf32> to vector<16xf32>
        %swap3A_779 = vector.shape_cast %mul3A_774 : vector<16xf32> to vector<1x16xf32>
        tpu.vector_store %arg10[%swap3A_775, %swap3A_776], %swap3A_779 {strides = array<i32>} : memref<128x128xf32, #tpu.memory_space<vmem>>, vector<1x16xf32>,
        %get3A_780 = arith.index_cast %add3A_756 : i32 to index
        %get3A_781 = arith.constant 32 : index
        %get3A_782 = tpu.vector_load %arg10[%get3A_780, %get3A_781] {strides = array<i32>} : memref<128x128xf32, #tpu.memory_space<vmem>>, vector<1x16xf32>,
        %get3A_783 = vector.shape_cast %get3A_782 : vector<1x16xf32> to vector<16xf32>
        %mul3A_784 = arith.mulf %get3A_783, %broadcast_in_dim3A_759 : vector<16xf32>
        %swap3A_785 = arith.index_cast %add3A_756 : i32 to index
        %swap3A_786 = arith.constant 32 : index
        %swap3A_787 = tpu.vector_load %arg10[%swap3A_785, %swap3A_786] {strides = array<i32>} : memref<128x128xf32, #tpu.memory_space<vmem>>, vector<1x16xf32>,
        %swap3A_788 = vector.shape_cast %swap3A_787 : vector<1x16xf32> to vector<16xf32>
        %swap3A_789 = vector.shape_cast %mul3A_784 : vector<16xf32> to vector<1x16xf32>
        tpu.vector_store %arg10[%swap3A_785, %swap3A_786], %swap3A_789 {strides = array<i32>} : memref<128x128xf32, #tpu.memory_space<vmem>>, vector<1x16xf32>,
        %get3A_790 = arith.index_cast %add3A_756 : i32 to index
        %get3A_791 = arith.constant 48 : index
        %get3A_792 = tpu.vector_load %arg10[%get3A_790, %get3A_791] {strides = array<i32>} : memref<128x128xf32, #tpu.memory_space<vmem>>, vector<1x16xf32>,
        %get3A_793 = vector.shape_cast %get3A_792 : vector<1x16xf32> to vector<16xf32>
        %mul3A_794 = arith.mulf %get3A_793, %broadcast_in_dim3A_759 : vector<16xf32>
        %swap3A_795 = arith.index_cast %add3A_756 : i32 to index
        %swap3A_796 = arith.constant 48 : index
        %swap3A_797 = tpu.vector_load %arg10[%swap3A_795, %swap3A_796] {strides = array<i32>} : memref<128x128xf32, #tpu.memory_space<vmem>>, vector<1x16xf32>,
        %swap3A_798 = vector.shape_cast %swap3A_797 : vector<1x16xf32> to vector<16xf32>
        %swap3A_799 = vector.shape_cast %mul3A_794 : vector<16xf32> to vector<1x16xf32>
        tpu.vector_store %arg10[%swap3A_795, %swap3A_796], %swap3A_799 {strides = array<i32>} : memref<128x128xf32, #tpu.memory_space<vmem>>, vector<1x16xf32>,
        %get3A_800 = arith.index_cast %add3A_756 : i32 to index
        %get3A_801 = arith.constant 64 : index
        %get3A_802 = tpu.vector_load %arg10[%get3A_800, %get3A_801] {strides = array<i32>} : memref<128x128xf32, #tpu.memory_space<vmem>>, vector<1x16xf32>,
        %get3A_803 = vector.shape_cast %get3A_802 : vector<1x16xf32> to vector<16xf32>
        %mul3A_804 = arith.mulf %get3A_803, %broadcast_in_dim3A_759 : vector<16xf32>
        %swap3A_805 = arith.index_cast %add3A_756 : i32 to index
        %swap3A_806 = arith.constant 64 : index
        %swap3A_807 = tpu.vector_load %arg10[%swap3A_805, %swap3A_806] {strides = array<i32>} : memref<128x128xf32, #tpu.memory_space<vmem>>, vector<1x16xf32>,
        %swap3A_808 = vector.shape_cast %swap3A_807 : vector<1x16xf32> to vector<16xf32>
        %swap3A_809 = vector.shape_cast %mul3A_804 : vector<16xf32> to vector<1x16xf32>
        tpu.vector_store %arg10[%swap3A_805, %swap3A_806], %swap3A_809 {strides = array<i32>} : memref<128x128xf32, #tpu.memory_space<vmem>>, vector<1x16xf32>,
        %get3A_810 = arith.index_cast %add3A_756 : i32 to index
        %get3A_811 = arith.constant 80 : index
        %get3A_812 = tpu.vector_load %arg10[%get3A_810, %get3A_811] {strides = array<i32>} : memref<128x128xf32, #tpu.memory_space<vmem>>, vector<1x16xf32>,
        %get3A_813 = vector.shape_cast %get3A_812 : vector<1x16xf32> to vector<16xf32>
        %mul3A_814 = arith.mulf %get3A_813, %broadcast_in_dim3A_759 : vector<16xf32>
        %swap3A_815 = arith.index_cast %add3A_756 : i32 to index
        %swap3A_816 = arith.constant 80 : index
        %swap3A_817 = tpu.vector_load %arg10[%swap3A_815, %swap3A_816] {strides = array<i32>} : memref<128x128xf32, #tpu.memory_space<vmem>>, vector<1x16xf32>,
        %swap3A_818 = vector.shape_cast %swap3A_817 : vector<1x16xf32> to vector<16xf32>
        %swap3A_819 = vector.shape_cast %mul3A_814 : vector<16xf32> to vector<1x16xf32>
        tpu.vector_store %arg10[%swap3A_815, %swap3A_816], %swap3A_819 {strides = array<i32>} : memref<128x128xf32, #tpu.memory_space<vmem>>, vector<1x16xf32>,
        %get3A_820 = arith.index_cast %add3A_756 : i32 to index
        %get3A_821 = arith.constant 96 : index
        %get3A_822 = tpu.vector_load %arg10[%get3A_820, %get3A_821] {strides = array<i32>} : memref<128x128xf32, #tpu.memory_space<vmem>>, vector<1x16xf32>,
        %get3A_823 = vector.shape_cast %get3A_822 : vector<1x16xf32> to vector<16xf32>
        %mul3A_824 = arith.mulf %get3A_823, %broadcast_in_dim3A_759 : vector<16xf32>
        %swap3A_825 = arith.index_cast %add3A_756 : i32 to index
        %swap3A_826 = arith.constant 96 : index
        %swap3A_827 = tpu.vector_load %arg10[%swap3A_825, %swap3A_826] {strides = array<i32>} : memref<128x128xf32, #tpu.memory_space<vmem>>, vector<1x16xf32>,
        %swap3A_828 = vector.shape_cast %swap3A_827 : vector<1x16xf32> to vector<16xf32>
        %swap3A_829 = vector.shape_cast %mul3A_824 : vector<16xf32> to vector<1x16xf32>
        tpu.vector_store %arg10[%swap3A_825, %swap3A_826], %swap3A_829 {strides = array<i32>} : memref<128x128xf32, #tpu.memory_space<vmem>>, vector<1x16xf32>,
        %get3A_830 = arith.index_cast %add3A_756 : i32 to index
        %get3A_831 = arith.constant 112 : index
        %get3A_832 = tpu.vector_load %arg10[%get3A_830, %get3A_831] {strides = array<i32>} : memref<128x128xf32, #tpu.memory_space<vmem>>, vector<1x16xf32>,
        %get3A_833 = vector.shape_cast %get3A_832 : vector<1x16xf32> to vector<16xf32>
        %mul3A_834 = arith.mulf %get3A_833, %broadcast_in_dim3A_759 : vector<16xf32>
        %swap3A_835 = arith.index_cast %add3A_756 : i32 to index
        %swap3A_836 = arith.constant 112 : index
        %swap3A_837 = tpu.vector_load %arg10[%swap3A_835, %swap3A_836] {strides = array<i32>} : memref<128x128xf32, #tpu.memory_space<vmem>>, vector<1x16xf32>,
        %swap3A_838 = vector.shape_cast %swap3A_837 : vector<1x16xf32> to vector<16xf32>
        %swap3A_839 = vector.shape_cast %mul3A_834 : vector<16xf32> to vector<1x16xf32>
        tpu.vector_store %arg10[%swap3A_835, %swap3A_836], %swap3A_839 {strides = array<i32>} : memref<128x128xf32, #tpu.memory_space<vmem>>, vector<1x16xf32>,
        %mul3A_840 = arith.constant 16 : i32
        %mul3A_841 = arith.muli %scan3A_52, %mul3A_840 : i32
        %add3A_842 = arith.constant 9 : i32
        %add3A_843 = arith.addi %mul3A_841, %add3A_842 : i32
        %slice3A_844 = vector.extract_strided_slice %get3A_60 {offsets = [9], sizes = [1], strides = [1]} : vector<16xf32> to vector<1xf32>
        %squeeze3A_845 = vector.extract %slice3A_844[0] : f32 from vector<1xf32>
        %broadcast_in_dim3A_846 = vector.broadcast %squeeze3A_845 : f32 to vector<16xf32>
        %get3A_847 = arith.index_cast %add3A_843 : i32 to index
        %get3A_848 = arith.constant 0 : index
        %get3A_849 = tpu.vector_load %arg10[%get3A_847, %get3A_848] {strides = array<i32>} : memref<128x128xf32, #tpu.memory_space<vmem>>, vector<1x16xf32>,
        %get3A_850 = vector.shape_cast %get3A_849 : vector<1x16xf32> to vector<16xf32>
        %mul3A_851 = arith.mulf %get3A_850, %broadcast_in_dim3A_846 : vector<16xf32>
        %swap3A_852 = arith.index_cast %add3A_843 : i32 to index
        %swap3A_853 = arith.constant 0 : index
        %swap3A_854 = tpu.vector_load %arg10[%swap3A_852, %swap3A_853] {strides = array<i32>} : memref<128x128xf32, #tpu.memory_space<vmem>>, vector<1x16xf32>,
        %swap3A_855 = vector.shape_cast %swap3A_854 : vector<1x16xf32> to vector<16xf32>
        %swap3A_856 = vector.shape_cast %mul3A_851 : vector<16xf32> to vector<1x16xf32>
        tpu.vector_store %arg10[%swap3A_852, %swap3A_853], %swap3A_856 {strides = array<i32>} : memref<128x128xf32, #tpu.memory_space<vmem>>, vector<1x16xf32>,
        %get3A_857 = arith.index_cast %add3A_843 : i32 to index
        %get3A_858 = arith.constant 16 : index
        %get3A_859 = tpu.vector_load %arg10[%get3A_857, %get3A_858] {strides = array<i32>} : memref<128x128xf32, #tpu.memory_space<vmem>>, vector<1x16xf32>,
        %get3A_860 = vector.shape_cast %get3A_859 : vector<1x16xf32> to vector<16xf32>
        %mul3A_861 = arith.mulf %get3A_860, %broadcast_in_dim3A_846 : vector<16xf32>
        %swap3A_862 = arith.index_cast %add3A_843 : i32 to index
        %swap3A_863 = arith.constant 16 : index
        %swap3A_864 = tpu.vector_load %arg10[%swap3A_862, %swap3A_863] {strides = array<i32>} : memref<128x128xf32, #tpu.memory_space<vmem>>, vector<1x16xf32>,
        %swap3A_865 = vector.shape_cast %swap3A_864 : vector<1x16xf32> to vector<16xf32>
        %swap3A_866 = vector.shape_cast %mul3A_861 : vector<16xf32> to vector<1x16xf32>
        tpu.vector_store %arg10[%swap3A_862, %swap3A_863], %swap3A_866 {strides = array<i32>} : memref<128x128xf32, #tpu.memory_space<vmem>>, vector<1x16xf32>,
        %get3A_867 = arith.index_cast %add3A_843 : i32 to index
        %get3A_868 = arith.constant 32 : index
        %get3A_869 = tpu.vector_load %arg10[%get3A_867, %get3A_868] {strides = array<i32>} : memref<128x128xf32, #tpu.memory_space<vmem>>, vector<1x16xf32>,
        %get3A_870 = vector.shape_cast %get3A_869 : vector<1x16xf32> to vector<16xf32>
        %mul3A_871 = arith.mulf %get3A_870, %broadcast_in_dim3A_846 : vector<16xf32>
        %swap3A_872 = arith.index_cast %add3A_843 : i32 to index
        %swap3A_873 = arith.constant 32 : index
        %swap3A_874 = tpu.vector_load %arg10[%swap3A_872, %swap3A_873] {strides = array<i32>} : memref<128x128xf32, #tpu.memory_space<vmem>>, vector<1x16xf32>,
        %swap3A_875 = vector.shape_cast %swap3A_874 : vector<1x16xf32> to vector<16xf32>
        %swap3A_876 = vector.shape_cast %mul3A_871 : vector<16xf32> to vector<1x16xf32>
        tpu.vector_store %arg10[%swap3A_872, %swap3A_873], %swap3A_876 {strides = array<i32>} : memref<128x128xf32, #tpu.memory_space<vmem>>, vector<1x16xf32>,
        %get3A_877 = arith.index_cast %add3A_843 : i32 to index
        %get3A_878 = arith.constant 48 : index
        %get3A_879 = tpu.vector_load %arg10[%get3A_877, %get3A_878] {strides = array<i32>} : memref<128x128xf32, #tpu.memory_space<vmem>>, vector<1x16xf32>,
        %get3A_880 = vector.shape_cast %get3A_879 : vector<1x16xf32> to vector<16xf32>
        %mul3A_881 = arith.mulf %get3A_880, %broadcast_in_dim3A_846 : vector<16xf32>
        %swap3A_882 = arith.index_cast %add3A_843 : i32 to index
        %swap3A_883 = arith.constant 48 : index
        %swap3A_884 = tpu.vector_load %arg10[%swap3A_882, %swap3A_883] {strides = array<i32>} : memref<128x128xf32, #tpu.memory_space<vmem>>, vector<1x16xf32>,
        %swap3A_885 = vector.shape_cast %swap3A_884 : vector<1x16xf32> to vector<16xf32>
        %swap3A_886 = vector.shape_cast %mul3A_881 : vector<16xf32> to vector<1x16xf32>
        tpu.vector_store %arg10[%swap3A_882, %swap3A_883], %swap3A_886 {strides = array<i32>} : memref<128x128xf32, #tpu.memory_space<vmem>>, vector<1x16xf32>,
        %get3A_887 = arith.index_cast %add3A_843 : i32 to index
        %get3A_888 = arith.constant 64 : index
        %get3A_889 = tpu.vector_load %arg10[%get3A_887, %get3A_888] {strides = array<i32>} : memref<128x128xf32, #tpu.memory_space<vmem>>, vector<1x16xf32>,
        %get3A_890 = vector.shape_cast %get3A_889 : vector<1x16xf32> to vector<16xf32>
        %mul3A_891 = arith.mulf %get3A_890, %broadcast_in_dim3A_846 : vector<16xf32>
        %swap3A_892 = arith.index_cast %add3A_843 : i32 to index
        %swap3A_893 = arith.constant 64 : index
        %swap3A_894 = tpu.vector_load %arg10[%swap3A_892, %swap3A_893] {strides = array<i32>} : memref<128x128xf32, #tpu.memory_space<vmem>>, vector<1x16xf32>,
        %swap3A_895 = vector.shape_cast %swap3A_894 : vector<1x16xf32> to vector<16xf32>
        %swap3A_896 = vector.shape_cast %mul3A_891 : vector<16xf32> to vector<1x16xf32>
        tpu.vector_store %arg10[%swap3A_892, %swap3A_893], %swap3A_896 {strides = array<i32>} : memref<128x128xf32, #tpu.memory_space<vmem>>, vector<1x16xf32>,
        %get3A_897 = arith.index_cast %add3A_843 : i32 to index
        %get3A_898 = arith.constant 80 : index
        %get3A_899 = tpu.vector_load %arg10[%get3A_897, %get3A_898] {strides = array<i32>} : memref<128x128xf32, #tpu.memory_space<vmem>>, vector<1x16xf32>,
        %get3A_900 = vector.shape_cast %get3A_899 : vector<1x16xf32> to vector<16xf32>
        %mul3A_901 = arith.mulf %get3A_900, %broadcast_in_dim3A_846 : vector<16xf32>
        %swap3A_902 = arith.index_cast %add3A_843 : i32 to index
        %swap3A_903 = arith.constant 80 : index
        %swap3A_904 = tpu.vector_load %arg10[%swap3A_902, %swap3A_903] {strides = array<i32>} : memref<128x128xf32, #tpu.memory_space<vmem>>, vector<1x16xf32>,
        %swap3A_905 = vector.shape_cast %swap3A_904 : vector<1x16xf32> to vector<16xf32>
        %swap3A_906 = vector.shape_cast %mul3A_901 : vector<16xf32> to vector<1x16xf32>
        tpu.vector_store %arg10[%swap3A_902, %swap3A_903], %swap3A_906 {strides = array<i32>} : memref<128x128xf32, #tpu.memory_space<vmem>>, vector<1x16xf32>,
        %get3A_907 = arith.index_cast %add3A_843 : i32 to index
        %get3A_908 = arith.constant 96 : index
        %get3A_909 = tpu.vector_load %arg10[%get3A_907, %get3A_908] {strides = array<i32>} : memref<128x128xf32, #tpu.memory_space<vmem>>, vector<1x16xf32>,
        %get3A_910 = vector.shape_cast %get3A_909 : vector<1x16xf32> to vector<16xf32>
        %mul3A_911 = arith.mulf %get3A_910, %broadcast_in_dim3A_846 : vector<16xf32>
        %swap3A_912 = arith.index_cast %add3A_843 : i32 to index
        %swap3A_913 = arith.constant 96 : index
        %swap3A_914 = tpu.vector_load %arg10[%swap3A_912, %swap3A_913] {strides = array<i32>} : memref<128x128xf32, #tpu.memory_space<vmem>>, vector<1x16xf32>,
        %swap3A_915 = vector.shape_cast %swap3A_914 : vector<1x16xf32> to vector<16xf32>
        %swap3A_916 = vector.shape_cast %mul3A_911 : vector<16xf32> to vector<1x16xf32>
        tpu.vector_store %arg10[%swap3A_912, %swap3A_913], %swap3A_916 {strides = array<i32>} : memref<128x128xf32, #tpu.memory_space<vmem>>, vector<1x16xf32>,
        %get3A_917 = arith.index_cast %add3A_843 : i32 to index
        %get3A_918 = arith.constant 112 : index
        %get3A_919 = tpu.vector_load %arg10[%get3A_917, %get3A_918] {strides = array<i32>} : memref<128x128xf32, #tpu.memory_space<vmem>>, vector<1x16xf32>,
        %get3A_920 = vector.shape_cast %get3A_919 : vector<1x16xf32> to vector<16xf32>
        %mul3A_921 = arith.mulf %get3A_920, %broadcast_in_dim3A_846 : vector<16xf32>
        %swap3A_922 = arith.index_cast %add3A_843 : i32 to index
        %swap3A_923 = arith.constant 112 : index
        %swap3A_924 = tpu.vector_load %arg10[%swap3A_922, %swap3A_923] {strides = array<i32>} : memref<128x128xf32, #tpu.memory_space<vmem>>, vector<1x16xf32>,
        %swap3A_925 = vector.shape_cast %swap3A_924 : vector<1x16xf32> to vector<16xf32>
        %swap3A_926 = vector.shape_cast %mul3A_921 : vector<16xf32> to vector<1x16xf32>
        tpu.vector_store %arg10[%swap3A_922, %swap3A_923], %swap3A_926 {strides = array<i32>} : memref<128x128xf32, #tpu.memory_space<vmem>>, vector<1x16xf32>,
        %mul3A_927 = arith.constant 16 : i32
        %mul3A_928 = arith.muli %scan3A_52, %mul3A_927 : i32
        %add3A_929 = arith.constant 10 : i32
        %add3A_930 = arith.addi %mul3A_928, %add3A_929 : i32
        %slice3A_931 = vector.extract_strided_slice %get3A_60 {offsets = [10], sizes = [1], strides = [1]} : vector<16xf32> to vector<1xf32>
        %squeeze3A_932 = vector.extract %slice3A_931[0] : f32 from vector<1xf32>
        %broadcast_in_dim3A_933 = vector.broadcast %squeeze3A_932 : f32 to vector<16xf32>
        %get3A_934 = arith.index_cast %add3A_930 : i32 to index
        %get3A_935 = arith.constant 0 : index
        %get3A_936 = tpu.vector_load %arg10[%get3A_934, %get3A_935] {strides = array<i32>} : memref<128x128xf32, #tpu.memory_space<vmem>>, vector<1x16xf32>,
        %get3A_937 = vector.shape_cast %get3A_936 : vector<1x16xf32> to vector<16xf32>
        %mul3A_938 = arith.mulf %get3A_937, %broadcast_in_dim3A_933 : vector<16xf32>
        %swap3A_939 = arith.index_cast %add3A_930 : i32 to index
        %swap3A_940 = arith.constant 0 : index
        %swap3A_941 = tpu.vector_load %arg10[%swap3A_939, %swap3A_940] {strides = array<i32>} : memref<128x128xf32, #tpu.memory_space<vmem>>, vector<1x16xf32>,
        %swap3A_942 = vector.shape_cast %swap3A_941 : vector<1x16xf32> to vector<16xf32>
        %swap3A_943 = vector.shape_cast %mul3A_938 : vector<16xf32> to vector<1x16xf32>
        tpu.vector_store %arg10[%swap3A_939, %swap3A_940], %swap3A_943 {strides = array<i32>} : memref<128x128xf32, #tpu.memory_space<vmem>>, vector<1x16xf32>,
        %get3A_944 = arith.index_cast %add3A_930 : i32 to index
        %get3A_945 = arith.constant 16 : index
        %get3A_946 = tpu.vector_load %arg10[%get3A_944, %get3A_945] {strides = array<i32>} : memref<128x128xf32, #tpu.memory_space<vmem>>, vector<1x16xf32>,
        %get3A_947 = vector.shape_cast %get3A_946 : vector<1x16xf32> to vector<16xf32>
        %mul3A_948 = arith.mulf %get3A_947, %broadcast_in_dim3A_933 : vector<16xf32>
        %swap3A_949 = arith.index_cast %add3A_930 : i32 to index
        %swap3A_950 = arith.constant 16 : index
        %swap3A_951 = tpu.vector_load %arg10[%swap3A_949, %swap3A_950] {strides = array<i32>} : memref<128x128xf32, #tpu.memory_space<vmem>>, vector<1x16xf32>,
        %swap3A_952 = vector.shape_cast %swap3A_951 : vector<1x16xf32> to vector<16xf32>
        %swap3A_953 = vector.shape_cast %mul3A_948 : vector<16xf32> to vector<1x16xf32>
        tpu.vector_store %arg10[%swap3A_949, %swap3A_950], %swap3A_953 {strides = array<i32>} : memref<128x128xf32, #tpu.memory_space<vmem>>, vector<1x16xf32>,
        %get3A_954 = arith.index_cast %add3A_930 : i32 to index
        %get3A_955 = arith.constant 32 : index
        %get3A_956 = tpu.vector_load %arg10[%get3A_954, %get3A_955] {strides = array<i32>} : memref<128x128xf32, #tpu.memory_space<vmem>>, vector<1x16xf32>,
        %get3A_957 = vector.shape_cast %get3A_956 : vector<1x16xf32> to vector<16xf32>
        %mul3A_958 = arith.mulf %get3A_957, %broadcast_in_dim3A_933 : vector<16xf32>
        %swap3A_959 = arith.index_cast %add3A_930 : i32 to index
        %swap3A_960 = arith.constant 32 : index
        %swap3A_961 = tpu.vector_load %arg10[%swap3A_959, %swap3A_960] {strides = array<i32>} : memref<128x128xf32, #tpu.memory_space<vmem>>, vector<1x16xf32>,
        %swap3A_962 = vector.shape_cast %swap3A_961 : vector<1x16xf32> to vector<16xf32>
        %swap3A_963 = vector.shape_cast %mul3A_958 : vector<16xf32> to vector<1x16xf32>
        tpu.vector_store %arg10[%swap3A_959, %swap3A_960], %swap3A_963 {strides = array<i32>} : memref<128x128xf32, #tpu.memory_space<vmem>>, vector<1x16xf32>,
        %get3A_964 = arith.index_cast %add3A_930 : i32 to index
        %get3A_965 = arith.constant 48 : index
        %get3A_966 = tpu.vector_load %arg10[%get3A_964, %get3A_965] {strides = array<i32>} : memref<128x128xf32, #tpu.memory_space<vmem>>, vector<1x16xf32>,
        %get3A_967 = vector.shape_cast %get3A_966 : vector<1x16xf32> to vector<16xf32>
        %mul3A_968 = arith.mulf %get3A_967, %broadcast_in_dim3A_933 : vector<16xf32>
        %swap3A_969 = arith.index_cast %add3A_930 : i32 to index
        %swap3A_970 = arith.constant 48 : index
        %swap3A_971 = tpu.vector_load %arg10[%swap3A_969, %swap3A_970] {strides = array<i32>} : memref<128x128xf32, #tpu.memory_space<vmem>>, vector<1x16xf32>,
        %swap3A_972 = vector.shape_cast %swap3A_971 : vector<1x16xf32> to vector<16xf32>
        %swap3A_973 = vector.shape_cast %mul3A_968 : vector<16xf32> to vector<1x16xf32>
        tpu.vector_store %arg10[%swap3A_969, %swap3A_970], %swap3A_973 {strides = array<i32>} : memref<128x128xf32, #tpu.memory_space<vmem>>, vector<1x16xf32>,
        %get3A_974 = arith.index_cast %add3A_930 : i32 to index
        %get3A_975 = arith.constant 64 : index
        %get3A_976 = tpu.vector_load %arg10[%get3A_974, %get3A_975] {strides = array<i32>} : memref<128x128xf32, #tpu.memory_space<vmem>>, vector<1x16xf32>,
        %get3A_977 = vector.shape_cast %get3A_976 : vector<1x16xf32> to vector<16xf32>
        %mul3A_978 = arith.mulf %get3A_977, %broadcast_in_dim3A_933 : vector<16xf32>
        %swap3A_979 = arith.index_cast %add3A_930 : i32 to index
        %swap3A_980 = arith.constant 64 : index
        %swap3A_981 = tpu.vector_load %arg10[%swap3A_979, %swap3A_980] {strides = array<i32>} : memref<128x128xf32, #tpu.memory_space<vmem>>, vector<1x16xf32>,
        %swap3A_982 = vector.shape_cast %swap3A_981 : vector<1x16xf32> to vector<16xf32>
        %swap3A_983 = vector.shape_cast %mul3A_978 : vector<16xf32> to vector<1x16xf32>
        tpu.vector_store %arg10[%swap3A_979, %swap3A_980], %swap3A_983 {strides = array<i32>} : memref<128x128xf32, #tpu.memory_space<vmem>>, vector<1x16xf32>,
        %get3A_984 = arith.index_cast %add3A_930 : i32 to index
        %get3A_985 = arith.constant 80 : index
        %get3A_986 = tpu.vector_load %arg10[%get3A_984, %get3A_985] {strides = array<i32>} : memref<128x128xf32, #tpu.memory_space<vmem>>, vector<1x16xf32>,
        %get3A_987 = vector.shape_cast %get3A_986 : vector<1x16xf32> to vector<16xf32>
        %mul3A_988 = arith.mulf %get3A_987, %broadcast_in_dim3A_933 : vector<16xf32>
        %swap3A_989 = arith.index_cast %add3A_930 : i32 to index
        %swap3A_990 = arith.constant 80 : index
        %swap3A_991 = tpu.vector_load %arg10[%swap3A_989, %swap3A_990] {strides = array<i32>} : memref<128x128xf32, #tpu.memory_space<vmem>>, vector<1x16xf32>,
        %swap3A_992 = vector.shape_cast %swap3A_991 : vector<1x16xf32> to vector<16xf32>
        %swap3A_993 = vector.shape_cast %mul3A_988 : vector<16xf32> to vector<1x16xf32>
        tpu.vector_store %arg10[%swap3A_989, %swap3A_990], %swap3A_993 {strides = array<i32>} : memref<128x128xf32, #tpu.memory_space<vmem>>, vector<1x16xf32>,
        %get3A_994 = arith.index_cast %add3A_930 : i32 to index
        %get3A_995 = arith.constant 96 : index
        %get3A_996 = tpu.vector_load %arg10[%get3A_994, %get3A_995] {strides = array<i32>} : memref<128x128xf32, #tpu.memory_space<vmem>>, vector<1x16xf32>,
        %get3A_997 = vector.shape_cast %get3A_996 : vector<1x16xf32> to vector<16xf32>
        %mul3A_998 = arith.mulf %get3A_997, %broadcast_in_dim3A_933 : vector<16xf32>
        %swap3A_999 = arith.index_cast %add3A_930 : i32 to index
        %swap3A_1000 = arith.constant 96 : index
        %swap3A_1001 = tpu.vector_load %arg10[%swap3A_999, %swap3A_1000] {strides = array<i32>} : memref<128x128xf32, #tpu.memory_space<vmem>>, vector<1x16xf32>,
        %swap3A_1002 = vector.shape_cast %swap3A_1001 : vector<1x16xf32> to vector<16xf32>
        %swap3A_1003 = vector.shape_cast %mul3A_998 : vector<16xf32> to vector<1x16xf32>
        tpu.vector_store %arg10[%swap3A_999, %swap3A_1000], %swap3A_1003 {strides = array<i32>} : memref<128x128xf32, #tpu.memory_space<vmem>>, vector<1x16xf32>,
        %get3A_1004 = arith.index_cast %add3A_930 : i32 to index
        %get3A_1005 = arith.constant 112 : index
        %get3A_1006 = tpu.vector_load %arg10[%get3A_1004, %get3A_1005] {strides = array<i32>} : memref<128x128xf32, #tpu.memory_space<vmem>>, vector<1x16xf32>,
        %get3A_1007 = vector.shape_cast %get3A_1006 : vector<1x16xf32> to vector<16xf32>
        %mul3A_1008 = arith.mulf %get3A_1007, %broadcast_in_dim3A_933 : vector<16xf32>
        %swap3A_1009 = arith.index_cast %add3A_930 : i32 to index
        %swap3A_1010 = arith.constant 112 : index
        %swap3A_1011 = tpu.vector_load %arg10[%swap3A_1009, %swap3A_1010] {strides = array<i32>} : memref<128x128xf32, #tpu.memory_space<vmem>>, vector<1x16xf32>,
        %swap3A_1012 = vector.shape_cast %swap3A_1011 : vector<1x16xf32> to vector<16xf32>
        %swap3A_1013 = vector.shape_cast %mul3A_1008 : vector<16xf32> to vector<1x16xf32>
        tpu.vector_store %arg10[%swap3A_1009, %swap3A_1010], %swap3A_1013 {strides = array<i32>} : memref<128x128xf32, #tpu.memory_space<vmem>>, vector<1x16xf32>,
        %mul3A_1014 = arith.constant 16 : i32
        %mul3A_1015 = arith.muli %scan3A_52, %mul3A_1014 : i32
        %add3A_1016 = arith.constant 11 : i32
        %add3A_1017 = arith.addi %mul3A_1015, %add3A_1016 : i32
        %slice3A_1018 = vector.extract_strided_slice %get3A_60 {offsets = [11], sizes = [1], strides = [1]} : vector<16xf32> to vector<1xf32>
        %squeeze3A_1019 = vector.extract %slice3A_1018[0] : f32 from vector<1xf32>
        %broadcast_in_dim3A_1020 = vector.broadcast %squeeze3A_1019 : f32 to vector<16xf32>
        %get3A_1021 = arith.index_cast %add3A_1017 : i32 to index
        %get3A_1022 = arith.constant 0 : index
        %get3A_1023 = tpu.vector_load %arg10[%get3A_1021, %get3A_1022] {strides = array<i32>} : memref<128x128xf32, #tpu.memory_space<vmem>>, vector<1x16xf32>,
        %get3A_1024 = vector.shape_cast %get3A_1023 : vector<1x16xf32> to vector<16xf32>
        %mul3A_1025 = arith.mulf %get3A_1024, %broadcast_in_dim3A_1020 : vector<16xf32>
        %swap3A_1026 = arith.index_cast %add3A_1017 : i32 to index
        %swap3A_1027 = arith.constant 0 : index
        %swap3A_1028 = tpu.vector_load %arg10[%swap3A_1026, %swap3A_1027] {strides = array<i32>} : memref<128x128xf32, #tpu.memory_space<vmem>>, vector<1x16xf32>,
        %swap3A_1029 = vector.shape_cast %swap3A_1028 : vector<1x16xf32> to vector<16xf32>
        %swap3A_1030 = vector.shape_cast %mul3A_1025 : vector<16xf32> to vector<1x16xf32>
        tpu.vector_store %arg10[%swap3A_1026, %swap3A_1027], %swap3A_1030 {strides = array<i32>} : memref<128x128xf32, #tpu.memory_space<vmem>>, vector<1x16xf32>,
        %get3A_1031 = arith.index_cast %add3A_1017 : i32 to index
        %get3A_1032 = arith.constant 16 : index
        %get3A_1033 = tpu.vector_load %arg10[%get3A_1031, %get3A_1032] {strides = array<i32>} : memref<128x128xf32, #tpu.memory_space<vmem>>, vector<1x16xf32>,
        %get3A_1034 = vector.shape_cast %get3A_1033 : vector<1x16xf32> to vector<16xf32>
        %mul3A_1035 = arith.mulf %get3A_1034, %broadcast_in_dim3A_1020 : vector<16xf32>
        %swap3A_1036 = arith.index_cast %add3A_1017 : i32 to index
        %swap3A_1037 = arith.constant 16 : index
        %swap3A_1038 = tpu.vector_load %arg10[%swap3A_1036, %swap3A_1037] {strides = array<i32>} : memref<128x128xf32, #tpu.memory_space<vmem>>, vector<1x16xf32>,
        %swap3A_1039 = vector.shape_cast %swap3A_1038 : vector<1x16xf32> to vector<16xf32>
        %swap3A_1040 = vector.shape_cast %mul3A_1035 : vector<16xf32> to vector<1x16xf32>
        tpu.vector_store %arg10[%swap3A_1036, %swap3A_1037], %swap3A_1040 {strides = array<i32>} : memref<128x128xf32, #tpu.memory_space<vmem>>, vector<1x16xf32>,
        %get3A_1041 = arith.index_cast %add3A_1017 : i32 to index
        %get3A_1042 = arith.constant 32 : index
        %get3A_1043 = tpu.vector_load %arg10[%get3A_1041, %get3A_1042] {strides = array<i32>} : memref<128x128xf32, #tpu.memory_space<vmem>>, vector<1x16xf32>,
        %get3A_1044 = vector.shape_cast %get3A_1043 : vector<1x16xf32> to vector<16xf32>
        %mul3A_1045 = arith.mulf %get3A_1044, %broadcast_in_dim3A_1020 : vector<16xf32>
        %swap3A_1046 = arith.index_cast %add3A_1017 : i32 to index
        %swap3A_1047 = arith.constant 32 : index
        %swap3A_1048 = tpu.vector_load %arg10[%swap3A_1046, %swap3A_1047] {strides = array<i32>} : memref<128x128xf32, #tpu.memory_space<vmem>>, vector<1x16xf32>,
        %swap3A_1049 = vector.shape_cast %swap3A_1048 : vector<1x16xf32> to vector<16xf32>
        %swap3A_1050 = vector.shape_cast %mul3A_1045 : vector<16xf32> to vector<1x16xf32>
        tpu.vector_store %arg10[%swap3A_1046, %swap3A_1047], %swap3A_1050 {strides = array<i32>} : memref<128x128xf32, #tpu.memory_space<vmem>>, vector<1x16xf32>,
        %get3A_1051 = arith.index_cast %add3A_1017 : i32 to index
        %get3A_1052 = arith.constant 48 : index
        %get3A_1053 = tpu.vector_load %arg10[%get3A_1051, %get3A_1052] {strides = array<i32>} : memref<128x128xf32, #tpu.memory_space<vmem>>, vector<1x16xf32>,
        %get3A_1054 = vector.shape_cast %get3A_1053 : vector<1x16xf32> to vector<16xf32>
        %mul3A_1055 = arith.mulf %get3A_1054, %broadcast_in_dim3A_1020 : vector<16xf32>
        %swap3A_1056 = arith.index_cast %add3A_1017 : i32 to index
        %swap3A_1057 = arith.constant 48 : index
        %swap3A_1058 = tpu.vector_load %arg10[%swap3A_1056, %swap3A_1057] {strides = array<i32>} : memref<128x128xf32, #tpu.memory_space<vmem>>, vector<1x16xf32>,
        %swap3A_1059 = vector.shape_cast %swap3A_1058 : vector<1x16xf32> to vector<16xf32>
        %swap3A_1060 = vector.shape_cast %mul3A_1055 : vector<16xf32> to vector<1x16xf32>
        tpu.vector_store %arg10[%swap3A_1056, %swap3A_1057], %swap3A_1060 {strides = array<i32>} : memref<128x128xf32, #tpu.memory_space<vmem>>, vector<1x16xf32>,
        %get3A_1061 = arith.index_cast %add3A_1017 : i32 to index
        %get3A_1062 = arith.constant 64 : index
        %get3A_1063 = tpu.vector_load %arg10[%get3A_1061, %get3A_1062] {strides = array<i32>} : memref<128x128xf32, #tpu.memory_space<vmem>>, vector<1x16xf32>,
        %get3A_1064 = vector.shape_cast %get3A_1063 : vector<1x16xf32> to vector<16xf32>
        %mul3A_1065 = arith.mulf %get3A_1064, %broadcast_in_dim3A_1020 : vector<16xf32>
        %swap3A_1066 = arith.index_cast %add3A_1017 : i32 to index
        %swap3A_1067 = arith.constant 64 : index
        %swap3A_1068 = tpu.vector_load %arg10[%swap3A_1066, %swap3A_1067] {strides = array<i32>} : memref<128x128xf32, #tpu.memory_space<vmem>>, vector<1x16xf32>,
        %swap3A_1069 = vector.shape_cast %swap3A_1068 : vector<1x16xf32> to vector<16xf32>
        %swap3A_1070 = vector.shape_cast %mul3A_1065 : vector<16xf32> to vector<1x16xf32>
        tpu.vector_store %arg10[%swap3A_1066, %swap3A_1067], %swap3A_1070 {strides = array<i32>} : memref<128x128xf32, #tpu.memory_space<vmem>>, vector<1x16xf32>,
        %get3A_1071 = arith.index_cast %add3A_1017 : i32 to index
        %get3A_1072 = arith.constant 80 : index
        %get3A_1073 = tpu.vector_load %arg10[%get3A_1071, %get3A_1072] {strides = array<i32>} : memref<128x128xf32, #tpu.memory_space<vmem>>, vector<1x16xf32>,
        %get3A_1074 = vector.shape_cast %get3A_1073 : vector<1x16xf32> to vector<16xf32>
        %mul3A_1075 = arith.mulf %get3A_1074, %broadcast_in_dim3A_1020 : vector<16xf32>
        %swap3A_1076 = arith.index_cast %add3A_1017 : i32 to index
        %swap3A_1077 = arith.constant 80 : index
        %swap3A_1078 = tpu.vector_load %arg10[%swap3A_1076, %swap3A_1077] {strides = array<i32>} : memref<128x128xf32, #tpu.memory_space<vmem>>, vector<1x16xf32>,
        %swap3A_1079 = vector.shape_cast %swap3A_1078 : vector<1x16xf32> to vector<16xf32>
        %swap3A_1080 = vector.shape_cast %mul3A_1075 : vector<16xf32> to vector<1x16xf32>
        tpu.vector_store %arg10[%swap3A_1076, %swap3A_1077], %swap3A_1080 {strides = array<i32>} : memref<128x128xf32, #tpu.memory_space<vmem>>, vector<1x16xf32>,
        %get3A_1081 = arith.index_cast %add3A_1017 : i32 to index
        %get3A_1082 = arith.constant 96 : index
        %get3A_1083 = tpu.vector_load %arg10[%get3A_1081, %get3A_1082] {strides = array<i32>} : memref<128x128xf32, #tpu.memory_space<vmem>>, vector<1x16xf32>,
        %get3A_1084 = vector.shape_cast %get3A_1083 : vector<1x16xf32> to vector<16xf32>
        %mul3A_1085 = arith.mulf %get3A_1084, %broadcast_in_dim3A_1020 : vector<16xf32>
        %swap3A_1086 = arith.index_cast %add3A_1017 : i32 to index
        %swap3A_1087 = arith.constant 96 : index
        %swap3A_1088 = tpu.vector_load %arg10[%swap3A_1086, %swap3A_1087] {strides = array<i32>} : memref<128x128xf32, #tpu.memory_space<vmem>>, vector<1x16xf32>,
        %swap3A_1089 = vector.shape_cast %swap3A_1088 : vector<1x16xf32> to vector<16xf32>
        %swap3A_1090 = vector.shape_cast %mul3A_1085 : vector<16xf32> to vector<1x16xf32>
        tpu.vector_store %arg10[%swap3A_1086, %swap3A_1087], %swap3A_1090 {strides = array<i32>} : memref<128x128xf32, #tpu.memory_space<vmem>>, vector<1x16xf32>,
        %get3A_1091 = arith.index_cast %add3A_1017 : i32 to index
        %get3A_1092 = arith.constant 112 : index
        %get3A_1093 = tpu.vector_load %arg10[%get3A_1091, %get3A_1092] {strides = array<i32>} : memref<128x128xf32, #tpu.memory_space<vmem>>, vector<1x16xf32>,
        %get3A_1094 = vector.shape_cast %get3A_1093 : vector<1x16xf32> to vector<16xf32>
        %mul3A_1095 = arith.mulf %get3A_1094, %broadcast_in_dim3A_1020 : vector<16xf32>
        %swap3A_1096 = arith.index_cast %add3A_1017 : i32 to index
        %swap3A_1097 = arith.constant 112 : index
        %swap3A_1098 = tpu.vector_load %arg10[%swap3A_1096, %swap3A_1097] {strides = array<i32>} : memref<128x128xf32, #tpu.memory_space<vmem>>, vector<1x16xf32>,
        %swap3A_1099 = vector.shape_cast %swap3A_1098 : vector<1x16xf32> to vector<16xf32>
        %swap3A_1100 = vector.shape_cast %mul3A_1095 : vector<16xf32> to vector<1x16xf32>
        tpu.vector_store %arg10[%swap3A_1096, %swap3A_1097], %swap3A_1100 {strides = array<i32>} : memref<128x128xf32, #tpu.memory_space<vmem>>, vector<1x16xf32>,
        %mul3A_1101 = arith.constant 16 : i32
        %mul3A_1102 = arith.muli %scan3A_52, %mul3A_1101 : i32
        %add3A_1103 = arith.constant 12 : i32
        %add3A_1104 = arith.addi %mul3A_1102, %add3A_1103 : i32
        %slice3A_1105 = vector.extract_strided_slice %get3A_60 {offsets = [12], sizes = [1], strides = [1]} : vector<16xf32> to vector<1xf32>
        %squeeze3A_1106 = vector.extract %slice3A_1105[0] : f32 from vector<1xf32>
        %broadcast_in_dim3A_1107 = vector.broadcast %squeeze3A_1106 : f32 to vector<16xf32>
        %get3A_1108 = arith.index_cast %add3A_1104 : i32 to index
        %get3A_1109 = arith.constant 0 : index
        %get3A_1110 = tpu.vector_load %arg10[%get3A_1108, %get3A_1109] {strides = array<i32>} : memref<128x128xf32, #tpu.memory_space<vmem>>, vector<1x16xf32>,
        %get3A_1111 = vector.shape_cast %get3A_1110 : vector<1x16xf32> to vector<16xf32>
        %mul3A_1112 = arith.mulf %get3A_1111, %broadcast_in_dim3A_1107 : vector<16xf32>
        %swap3A_1113 = arith.index_cast %add3A_1104 : i32 to index
        %swap3A_1114 = arith.constant 0 : index
        %swap3A_1115 = tpu.vector_load %arg10[%swap3A_1113, %swap3A_1114] {strides = array<i32>} : memref<128x128xf32, #tpu.memory_space<vmem>>, vector<1x16xf32>,
        %swap3A_1116 = vector.shape_cast %swap3A_1115 : vector<1x16xf32> to vector<16xf32>
        %swap3A_1117 = vector.shape_cast %mul3A_1112 : vector<16xf32> to vector<1x16xf32>
        tpu.vector_store %arg10[%swap3A_1113, %swap3A_1114], %swap3A_1117 {strides = array<i32>} : memref<128x128xf32, #tpu.memory_space<vmem>>, vector<1x16xf32>,
        %get3A_1118 = arith.index_cast %add3A_1104 : i32 to index
        %get3A_1119 = arith.constant 16 : index
        %get3A_1120 = tpu.vector_load %arg10[%get3A_1118, %get3A_1119] {strides = array<i32>} : memref<128x128xf32, #tpu.memory_space<vmem>>, vector<1x16xf32>,
        %get3A_1121 = vector.shape_cast %get3A_1120 : vector<1x16xf32> to vector<16xf32>
        %mul3A_1122 = arith.mulf %get3A_1121, %broadcast_in_dim3A_1107 : vector<16xf32>
        %swap3A_1123 = arith.index_cast %add3A_1104 : i32 to index
        %swap3A_1124 = arith.constant 16 : index
        %swap3A_1125 = tpu.vector_load %arg10[%swap3A_1123, %swap3A_1124] {strides = array<i32>} : memref<128x128xf32, #tpu.memory_space<vmem>>, vector<1x16xf32>,
        %swap3A_1126 = vector.shape_cast %swap3A_1125 : vector<1x16xf32> to vector<16xf32>
        %swap3A_1127 = vector.shape_cast %mul3A_1122 : vector<16xf32> to vector<1x16xf32>
        tpu.vector_store %arg10[%swap3A_1123, %swap3A_1124], %swap3A_1127 {strides = array<i32>} : memref<128x128xf32, #tpu.memory_space<vmem>>, vector<1x16xf32>,
        %get3A_1128 = arith.index_cast %add3A_1104 : i32 to index
        %get3A_1129 = arith.constant 32 : index
        %get3A_1130 = tpu.vector_load %arg10[%get3A_1128, %get3A_1129] {strides = array<i32>} : memref<128x128xf32, #tpu.memory_space<vmem>>, vector<1x16xf32>,
        %get3A_1131 = vector.shape_cast %get3A_1130 : vector<1x16xf32> to vector<16xf32>
        %mul3A_1132 = arith.mulf %get3A_1131, %broadcast_in_dim3A_1107 : vector<16xf32>
        %swap3A_1133 = arith.index_cast %add3A_1104 : i32 to index
        %swap3A_1134 = arith.constant 32 : index
        %swap3A_1135 = tpu.vector_load %arg10[%swap3A_1133, %swap3A_1134] {strides = array<i32>} : memref<128x128xf32, #tpu.memory_space<vmem>>, vector<1x16xf32>,
        %swap3A_1136 = vector.shape_cast %swap3A_1135 : vector<1x16xf32> to vector<16xf32>
        %swap3A_1137 = vector.shape_cast %mul3A_1132 : vector<16xf32> to vector<1x16xf32>
        tpu.vector_store %arg10[%swap3A_1133, %swap3A_1134], %swap3A_1137 {strides = array<i32>} : memref<128x128xf32, #tpu.memory_space<vmem>>, vector<1x16xf32>,
        %get3A_1138 = arith.index_cast %add3A_1104 : i32 to index
        %get3A_1139 = arith.constant 48 : index
        %get3A_1140 = tpu.vector_load %arg10[%get3A_1138, %get3A_1139] {strides = array<i32>} : memref<128x128xf32, #tpu.memory_space<vmem>>, vector<1x16xf32>,
        %get3A_1141 = vector.shape_cast %get3A_1140 : vector<1x16xf32> to vector<16xf32>
        %mul3A_1142 = arith.mulf %get3A_1141, %broadcast_in_dim3A_1107 : vector<16xf32>
        %swap3A_1143 = arith.index_cast %add3A_1104 : i32 to index
        %swap3A_1144 = arith.constant 48 : index
        %swap3A_1145 = tpu.vector_load %arg10[%swap3A_1143, %swap3A_1144] {strides = array<i32>} : memref<128x128xf32, #tpu.memory_space<vmem>>, vector<1x16xf32>,
        %swap3A_1146 = vector.shape_cast %swap3A_1145 : vector<1x16xf32> to vector<16xf32>
        %swap3A_1147 = vector.shape_cast %mul3A_1142 : vector<16xf32> to vector<1x16xf32>
        tpu.vector_store %arg10[%swap3A_1143, %swap3A_1144], %swap3A_1147 {strides = array<i32>} : memref<128x128xf32, #tpu.memory_space<vmem>>, vector<1x16xf32>,
        %get3A_1148 = arith.index_cast %add3A_1104 : i32 to index
        %get3A_1149 = arith.constant 64 : index
        %get3A_1150 = tpu.vector_load %arg10[%get3A_1148, %get3A_1149] {strides = array<i32>} : memref<128x128xf32, #tpu.memory_space<vmem>>, vector<1x16xf32>,
        %get3A_1151 = vector.shape_cast %get3A_1150 : vector<1x16xf32> to vector<16xf32>
        %mul3A_1152 = arith.mulf %get3A_1151, %broadcast_in_dim3A_1107 : vector<16xf32>
        %swap3A_1153 = arith.index_cast %add3A_1104 : i32 to index
        %swap3A_1154 = arith.constant 64 : index
        %swap3A_1155 = tpu.vector_load %arg10[%swap3A_1153, %swap3A_1154] {strides = array<i32>} : memref<128x128xf32, #tpu.memory_space<vmem>>, vector<1x16xf32>,
        %swap3A_1156 = vector.shape_cast %swap3A_1155 : vector<1x16xf32> to vector<16xf32>
        %swap3A_1157 = vector.shape_cast %mul3A_1152 : vector<16xf32> to vector<1x16xf32>
        tpu.vector_store %arg10[%swap3A_1153, %swap3A_1154], %swap3A_1157 {strides = array<i32>} : memref<128x128xf32, #tpu.memory_space<vmem>>, vector<1x16xf32>,
        %get3A_1158 = arith.index_cast %add3A_1104 : i32 to index
        %get3A_1159 = arith.constant 80 : index
        %get3A_1160 = tpu.vector_load %arg10[%get3A_1158, %get3A_1159] {strides = array<i32>} : memref<128x128xf32, #tpu.memory_space<vmem>>, vector<1x16xf32>,
        %get3A_1161 = vector.shape_cast %get3A_1160 : vector<1x16xf32> to vector<16xf32>
        %mul3A_1162 = arith.mulf %get3A_1161, %broadcast_in_dim3A_1107 : vector<16xf32>
        %swap3A_1163 = arith.index_cast %add3A_1104 : i32 to index
        %swap3A_1164 = arith.constant 80 : index
        %swap3A_1165 = tpu.vector_load %arg10[%swap3A_1163, %swap3A_1164] {strides = array<i32>} : memref<128x128xf32, #tpu.memory_space<vmem>>, vector<1x16xf32>,
        %swap3A_1166 = vector.shape_cast %swap3A_1165 : vector<1x16xf32> to vector<16xf32>
        %swap3A_1167 = vector.shape_cast %mul3A_1162 : vector<16xf32> to vector<1x16xf32>
        tpu.vector_store %arg10[%swap3A_1163, %swap3A_1164], %swap3A_1167 {strides = array<i32>} : memref<128x128xf32, #tpu.memory_space<vmem>>, vector<1x16xf32>,
        %get3A_1168 = arith.index_cast %add3A_1104 : i32 to index
        %get3A_1169 = arith.constant 96 : index
        %get3A_1170 = tpu.vector_load %arg10[%get3A_1168, %get3A_1169] {strides = array<i32>} : memref<128x128xf32, #tpu.memory_space<vmem>>, vector<1x16xf32>,
        %get3A_1171 = vector.shape_cast %get3A_1170 : vector<1x16xf32> to vector<16xf32>
        %mul3A_1172 = arith.mulf %get3A_1171, %broadcast_in_dim3A_1107 : vector<16xf32>
        %swap3A_1173 = arith.index_cast %add3A_1104 : i32 to index
        %swap3A_1174 = arith.constant 96 : index
        %swap3A_1175 = tpu.vector_load %arg10[%swap3A_1173, %swap3A_1174] {strides = array<i32>} : memref<128x128xf32, #tpu.memory_space<vmem>>, vector<1x16xf32>,
        %swap3A_1176 = vector.shape_cast %swap3A_1175 : vector<1x16xf32> to vector<16xf32>
        %swap3A_1177 = vector.shape_cast %mul3A_1172 : vector<16xf32> to vector<1x16xf32>
        tpu.vector_store %arg10[%swap3A_1173, %swap3A_1174], %swap3A_1177 {strides = array<i32>} : memref<128x128xf32, #tpu.memory_space<vmem>>, vector<1x16xf32>,
        %get3A_1178 = arith.index_cast %add3A_1104 : i32 to index
        %get3A_1179 = arith.constant 112 : index
        %get3A_1180 = tpu.vector_load %arg10[%get3A_1178, %get3A_1179] {strides = array<i32>} : memref<128x128xf32, #tpu.memory_space<vmem>>, vector<1x16xf32>,
        %get3A_1181 = vector.shape_cast %get3A_1180 : vector<1x16xf32> to vector<16xf32>
        %mul3A_1182 = arith.mulf %get3A_1181, %broadcast_in_dim3A_1107 : vector<16xf32>
        %swap3A_1183 = arith.index_cast %add3A_1104 : i32 to index
        %swap3A_1184 = arith.constant 112 : index
        %swap3A_1185 = tpu.vector_load %arg10[%swap3A_1183, %swap3A_1184] {strides = array<i32>} : memref<128x128xf32, #tpu.memory_space<vmem>>, vector<1x16xf32>,
        %swap3A_1186 = vector.shape_cast %swap3A_1185 : vector<1x16xf32> to vector<16xf32>
        %swap3A_1187 = vector.shape_cast %mul3A_1182 : vector<16xf32> to vector<1x16xf32>
        tpu.vector_store %arg10[%swap3A_1183, %swap3A_1184], %swap3A_1187 {strides = array<i32>} : memref<128x128xf32, #tpu.memory_space<vmem>>, vector<1x16xf32>,
        %mul3A_1188 = arith.constant 16 : i32
        %mul3A_1189 = arith.muli %scan3A_52, %mul3A_1188 : i32
        %add3A_1190 = arith.constant 13 : i32
        %add3A_1191 = arith.addi %mul3A_1189, %add3A_1190 : i32
        %slice3A_1192 = vector.extract_strided_slice %get3A_60 {offsets = [13], sizes = [1], strides = [1]} : vector<16xf32> to vector<1xf32>
        %squeeze3A_1193 = vector.extract %slice3A_1192[0] : f32 from vector<1xf32>
        %broadcast_in_dim3A_1194 = vector.broadcast %squeeze3A_1193 : f32 to vector<16xf32>
        %get3A_1195 = arith.index_cast %add3A_1191 : i32 to index
        %get3A_1196 = arith.constant 0 : index
        %get3A_1197 = tpu.vector_load %arg10[%get3A_1195, %get3A_1196] {strides = array<i32>} : memref<128x128xf32, #tpu.memory_space<vmem>>, vector<1x16xf32>,
        %get3A_1198 = vector.shape_cast %get3A_1197 : vector<1x16xf32> to vector<16xf32>
        %mul3A_1199 = arith.mulf %get3A_1198, %broadcast_in_dim3A_1194 : vector<16xf32>
        %swap3A_1200 = arith.index_cast %add3A_1191 : i32 to index
        %swap3A_1201 = arith.constant 0 : index
        %swap3A_1202 = tpu.vector_load %arg10[%swap3A_1200, %swap3A_1201] {strides = array<i32>} : memref<128x128xf32, #tpu.memory_space<vmem>>, vector<1x16xf32>,
        %swap3A_1203 = vector.shape_cast %swap3A_1202 : vector<1x16xf32> to vector<16xf32>
        %swap3A_1204 = vector.shape_cast %mul3A_1199 : vector<16xf32> to vector<1x16xf32>
        tpu.vector_store %arg10[%swap3A_1200, %swap3A_1201], %swap3A_1204 {strides = array<i32>} : memref<128x128xf32, #tpu.memory_space<vmem>>, vector<1x16xf32>,
        %get3A_1205 = arith.index_cast %add3A_1191 : i32 to index
        %get3A_1206 = arith.constant 16 : index
        %get3A_1207 = tpu.vector_load %arg10[%get3A_1205, %get3A_1206] {strides = array<i32>} : memref<128x128xf32, #tpu.memory_space<vmem>>, vector<1x16xf32>,
        %get3A_1208 = vector.shape_cast %get3A_1207 : vector<1x16xf32> to vector<16xf32>
        %mul3A_1209 = arith.mulf %get3A_1208, %broadcast_in_dim3A_1194 : vector<16xf32>
        %swap3A_1210 = arith.index_cast %add3A_1191 : i32 to index
        %swap3A_1211 = arith.constant 16 : index
        %swap3A_1212 = tpu.vector_load %arg10[%swap3A_1210, %swap3A_1211] {strides = array<i32>} : memref<128x128xf32, #tpu.memory_space<vmem>>, vector<1x16xf32>,
        %swap3A_1213 = vector.shape_cast %swap3A_1212 : vector<1x16xf32> to vector<16xf32>
        %swap3A_1214 = vector.shape_cast %mul3A_1209 : vector<16xf32> to vector<1x16xf32>
        tpu.vector_store %arg10[%swap3A_1210, %swap3A_1211], %swap3A_1214 {strides = array<i32>} : memref<128x128xf32, #tpu.memory_space<vmem>>, vector<1x16xf32>,
        %get3A_1215 = arith.index_cast %add3A_1191 : i32 to index
        %get3A_1216 = arith.constant 32 : index
        %get3A_1217 = tpu.vector_load %arg10[%get3A_1215, %get3A_1216] {strides = array<i32>} : memref<128x128xf32, #tpu.memory_space<vmem>>, vector<1x16xf32>,
        %get3A_1218 = vector.shape_cast %get3A_1217 : vector<1x16xf32> to vector<16xf32>
        %mul3A_1219 = arith.mulf %get3A_1218, %broadcast_in_dim3A_1194 : vector<16xf32>
        %swap3A_1220 = arith.index_cast %add3A_1191 : i32 to index
        %swap3A_1221 = arith.constant 32 : index
        %swap3A_1222 = tpu.vector_load %arg10[%swap3A_1220, %swap3A_1221] {strides = array<i32>} : memref<128x128xf32, #tpu.memory_space<vmem>>, vector<1x16xf32>,
        %swap3A_1223 = vector.shape_cast %swap3A_1222 : vector<1x16xf32> to vector<16xf32>
        %swap3A_1224 = vector.shape_cast %mul3A_1219 : vector<16xf32> to vector<1x16xf32>
        tpu.vector_store %arg10[%swap3A_1220, %swap3A_1221], %swap3A_1224 {strides = array<i32>} : memref<128x128xf32, #tpu.memory_space<vmem>>, vector<1x16xf32>,
        %get3A_1225 = arith.index_cast %add3A_1191 : i32 to index
        %get3A_1226 = arith.constant 48 : index
        %get3A_1227 = tpu.vector_load %arg10[%get3A_1225, %get3A_1226] {strides = array<i32>} : memref<128x128xf32, #tpu.memory_space<vmem>>, vector<1x16xf32>,
        %get3A_1228 = vector.shape_cast %get3A_1227 : vector<1x16xf32> to vector<16xf32>
        %mul3A_1229 = arith.mulf %get3A_1228, %broadcast_in_dim3A_1194 : vector<16xf32>
        %swap3A_1230 = arith.index_cast %add3A_1191 : i32 to index
        %swap3A_1231 = arith.constant 48 : index
        %swap3A_1232 = tpu.vector_load %arg10[%swap3A_1230, %swap3A_1231] {strides = array<i32>} : memref<128x128xf32, #tpu.memory_space<vmem>>, vector<1x16xf32>,
        %swap3A_1233 = vector.shape_cast %swap3A_1232 : vector<1x16xf32> to vector<16xf32>
        %swap3A_1234 = vector.shape_cast %mul3A_1229 : vector<16xf32> to vector<1x16xf32>
        tpu.vector_store %arg10[%swap3A_1230, %swap3A_1231], %swap3A_1234 {strides = array<i32>} : memref<128x128xf32, #tpu.memory_space<vmem>>, vector<1x16xf32>,
        %get3A_1235 = arith.index_cast %add3A_1191 : i32 to index
        %get3A_1236 = arith.constant 64 : index
        %get3A_1237 = tpu.vector_load %arg10[%get3A_1235, %get3A_1236] {strides = array<i32>} : memref<128x128xf32, #tpu.memory_space<vmem>>, vector<1x16xf32>,
        %get3A_1238 = vector.shape_cast %get3A_1237 : vector<1x16xf32> to vector<16xf32>
        %mul3A_1239 = arith.mulf %get3A_1238, %broadcast_in_dim3A_1194 : vector<16xf32>
        %swap3A_1240 = arith.index_cast %add3A_1191 : i32 to index
        %swap3A_1241 = arith.constant 64 : index
        %swap3A_1242 = tpu.vector_load %arg10[%swap3A_1240, %swap3A_1241] {strides = array<i32>} : memref<128x128xf32, #tpu.memory_space<vmem>>, vector<1x16xf32>,
        %swap3A_1243 = vector.shape_cast %swap3A_1242 : vector<1x16xf32> to vector<16xf32>
        %swap3A_1244 = vector.shape_cast %mul3A_1239 : vector<16xf32> to vector<1x16xf32>
        tpu.vector_store %arg10[%swap3A_1240, %swap3A_1241], %swap3A_1244 {strides = array<i32>} : memref<128x128xf32, #tpu.memory_space<vmem>>, vector<1x16xf32>,
        %get3A_1245 = arith.index_cast %add3A_1191 : i32 to index
        %get3A_1246 = arith.constant 80 : index
        %get3A_1247 = tpu.vector_load %arg10[%get3A_1245, %get3A_1246] {strides = array<i32>} : memref<128x128xf32, #tpu.memory_space<vmem>>, vector<1x16xf32>,
        %get3A_1248 = vector.shape_cast %get3A_1247 : vector<1x16xf32> to vector<16xf32>
        %mul3A_1249 = arith.mulf %get3A_1248, %broadcast_in_dim3A_1194 : vector<16xf32>
        %swap3A_1250 = arith.index_cast %add3A_1191 : i32 to index
        %swap3A_1251 = arith.constant 80 : index
        %swap3A_1252 = tpu.vector_load %arg10[%swap3A_1250, %swap3A_1251] {strides = array<i32>} : memref<128x128xf32, #tpu.memory_space<vmem>>, vector<1x16xf32>,
        %swap3A_1253 = vector.shape_cast %swap3A_1252 : vector<1x16xf32> to vector<16xf32>
        %swap3A_1254 = vector.shape_cast %mul3A_1249 : vector<16xf32> to vector<1x16xf32>
        tpu.vector_store %arg10[%swap3A_1250, %swap3A_1251], %swap3A_1254 {strides = array<i32>} : memref<128x128xf32, #tpu.memory_space<vmem>>, vector<1x16xf32>,
        %get3A_1255 = arith.index_cast %add3A_1191 : i32 to index
        %get3A_1256 = arith.constant 96 : index
        %get3A_1257 = tpu.vector_load %arg10[%get3A_1255, %get3A_1256] {strides = array<i32>} : memref<128x128xf32, #tpu.memory_space<vmem>>, vector<1x16xf32>,
        %get3A_1258 = vector.shape_cast %get3A_1257 : vector<1x16xf32> to vector<16xf32>
        %mul3A_1259 = arith.mulf %get3A_1258, %broadcast_in_dim3A_1194 : vector<16xf32>
        %swap3A_1260 = arith.index_cast %add3A_1191 : i32 to index
        %swap3A_1261 = arith.constant 96 : index
        %swap3A_1262 = tpu.vector_load %arg10[%swap3A_1260, %swap3A_1261] {strides = array<i32>} : memref<128x128xf32, #tpu.memory_space<vmem>>, vector<1x16xf32>,
        %swap3A_1263 = vector.shape_cast %swap3A_1262 : vector<1x16xf32> to vector<16xf32>
        %swap3A_1264 = vector.shape_cast %mul3A_1259 : vector<16xf32> to vector<1x16xf32>
        tpu.vector_store %arg10[%swap3A_1260, %swap3A_1261], %swap3A_1264 {strides = array<i32>} : memref<128x128xf32, #tpu.memory_space<vmem>>, vector<1x16xf32>,
        %get3A_1265 = arith.index_cast %add3A_1191 : i32 to index
        %get3A_1266 = arith.constant 112 : index
        %get3A_1267 = tpu.vector_load %arg10[%get3A_1265, %get3A_1266] {strides = array<i32>} : memref<128x128xf32, #tpu.memory_space<vmem>>, vector<1x16xf32>,
        %get3A_1268 = vector.shape_cast %get3A_1267 : vector<1x16xf32> to vector<16xf32>
        %mul3A_1269 = arith.mulf %get3A_1268, %broadcast_in_dim3A_1194 : vector<16xf32>
        %swap3A_1270 = arith.index_cast %add3A_1191 : i32 to index
        %swap3A_1271 = arith.constant 112 : index
        %swap3A_1272 = tpu.vector_load %arg10[%swap3A_1270, %swap3A_1271] {strides = array<i32>} : memref<128x128xf32, #tpu.memory_space<vmem>>, vector<1x16xf32>,
        %swap3A_1273 = vector.shape_cast %swap3A_1272 : vector<1x16xf32> to vector<16xf32>
        %swap3A_1274 = vector.shape_cast %mul3A_1269 : vector<16xf32> to vector<1x16xf32>
        tpu.vector_store %arg10[%swap3A_1270, %swap3A_1271], %swap3A_1274 {strides = array<i32>} : memref<128x128xf32, #tpu.memory_space<vmem>>, vector<1x16xf32>,
        %mul3A_1275 = arith.constant 16 : i32
        %mul3A_1276 = arith.muli %scan3A_52, %mul3A_1275 : i32
        %add3A_1277 = arith.constant 14 : i32
        %add3A_1278 = arith.addi %mul3A_1276, %add3A_1277 : i32
        %slice3A_1279 = vector.extract_strided_slice %get3A_60 {offsets = [14], sizes = [1], strides = [1]} : vector<16xf32> to vector<1xf32>
        %squeeze3A_1280 = vector.extract %slice3A_1279[0] : f32 from vector<1xf32>
        %broadcast_in_dim3A_1281 = vector.broadcast %squeeze3A_1280 : f32 to vector<16xf32>
        %get3A_1282 = arith.index_cast %add3A_1278 : i32 to index
        %get3A_1283 = arith.constant 0 : index
        %get3A_1284 = tpu.vector_load %arg10[%get3A_1282, %get3A_1283] {strides = array<i32>} : memref<128x128xf32, #tpu.memory_space<vmem>>, vector<1x16xf32>,
        %get3A_1285 = vector.shape_cast %get3A_1284 : vector<1x16xf32> to vector<16xf32>
        %mul3A_1286 = arith.mulf %get3A_1285, %broadcast_in_dim3A_1281 : vector<16xf32>
        %swap3A_1287 = arith.index_cast %add3A_1278 : i32 to index
        %swap3A_1288 = arith.constant 0 : index
        %swap3A_1289 = tpu.vector_load %arg10[%swap3A_1287, %swap3A_1288] {strides = array<i32>} : memref<128x128xf32, #tpu.memory_space<vmem>>, vector<1x16xf32>,
        %swap3A_1290 = vector.shape_cast %swap3A_1289 : vector<1x16xf32> to vector<16xf32>
        %swap3A_1291 = vector.shape_cast %mul3A_1286 : vector<16xf32> to vector<1x16xf32>
        tpu.vector_store %arg10[%swap3A_1287, %swap3A_1288], %swap3A_1291 {strides = array<i32>} : memref<128x128xf32, #tpu.memory_space<vmem>>, vector<1x16xf32>,
        %get3A_1292 = arith.index_cast %add3A_1278 : i32 to index
        %get3A_1293 = arith.constant 16 : index
        %get3A_1294 = tpu.vector_load %arg10[%get3A_1292, %get3A_1293] {strides = array<i32>} : memref<128x128xf32, #tpu.memory_space<vmem>>, vector<1x16xf32>,
        %get3A_1295 = vector.shape_cast %get3A_1294 : vector<1x16xf32> to vector<16xf32>
        %mul3A_1296 = arith.mulf %get3A_1295, %broadcast_in_dim3A_1281 : vector<16xf32>
        %swap3A_1297 = arith.index_cast %add3A_1278 : i32 to index
        %swap3A_1298 = arith.constant 16 : index
        %swap3A_1299 = tpu.vector_load %arg10[%swap3A_1297, %swap3A_1298] {strides = array<i32>} : memref<128x128xf32, #tpu.memory_space<vmem>>, vector<1x16xf32>,
        %swap3A_1300 = vector.shape_cast %swap3A_1299 : vector<1x16xf32> to vector<16xf32>
        %swap3A_1301 = vector.shape_cast %mul3A_1296 : vector<16xf32> to vector<1x16xf32>
        tpu.vector_store %arg10[%swap3A_1297, %swap3A_1298], %swap3A_1301 {strides = array<i32>} : memref<128x128xf32, #tpu.memory_space<vmem>>, vector<1x16xf32>,
        %get3A_1302 = arith.index_cast %add3A_1278 : i32 to index
        %get3A_1303 = arith.constant 32 : index
        %get3A_1304 = tpu.vector_load %arg10[%get3A_1302, %get3A_1303] {strides = array<i32>} : memref<128x128xf32, #tpu.memory_space<vmem>>, vector<1x16xf32>,
        %get3A_1305 = vector.shape_cast %get3A_1304 : vector<1x16xf32> to vector<16xf32>
        %mul3A_1306 = arith.mulf %get3A_1305, %broadcast_in_dim3A_1281 : vector<16xf32>
        %swap3A_1307 = arith.index_cast %add3A_1278 : i32 to index
        %swap3A_1308 = arith.constant 32 : index
        %swap3A_1309 = tpu.vector_load %arg10[%swap3A_1307, %swap3A_1308] {strides = array<i32>} : memref<128x128xf32, #tpu.memory_space<vmem>>, vector<1x16xf32>,
        %swap3A_1310 = vector.shape_cast %swap3A_1309 : vector<1x16xf32> to vector<16xf32>
        %swap3A_1311 = vector.shape_cast %mul3A_1306 : vector<16xf32> to vector<1x16xf32>
        tpu.vector_store %arg10[%swap3A_1307, %swap3A_1308], %swap3A_1311 {strides = array<i32>} : memref<128x128xf32, #tpu.memory_space<vmem>>, vector<1x16xf32>,
        %get3A_1312 = arith.index_cast %add3A_1278 : i32 to index
        %get3A_1313 = arith.constant 48 : index
        %get3A_1314 = tpu.vector_load %arg10[%get3A_1312, %get3A_1313] {strides = array<i32>} : memref<128x128xf32, #tpu.memory_space<vmem>>, vector<1x16xf32>,
        %get3A_1315 = vector.shape_cast %get3A_1314 : vector<1x16xf32> to vector<16xf32>
        %mul3A_1316 = arith.mulf %get3A_1315, %broadcast_in_dim3A_1281 : vector<16xf32>
        %swap3A_1317 = arith.index_cast %add3A_1278 : i32 to index
        %swap3A_1318 = arith.constant 48 : index
        %swap3A_1319 = tpu.vector_load %arg10[%swap3A_1317, %swap3A_1318] {strides = array<i32>} : memref<128x128xf32, #tpu.memory_space<vmem>>, vector<1x16xf32>,
        %swap3A_1320 = vector.shape_cast %swap3A_1319 : vector<1x16xf32> to vector<16xf32>
        %swap3A_1321 = vector.shape_cast %mul3A_1316 : vector<16xf32> to vector<1x16xf32>
        tpu.vector_store %arg10[%swap3A_1317, %swap3A_1318], %swap3A_1321 {strides = array<i32>} : memref<128x128xf32, #tpu.memory_space<vmem>>, vector<1x16xf32>,
        %get3A_1322 = arith.index_cast %add3A_1278 : i32 to index
        %get3A_1323 = arith.constant 64 : index
        %get3A_1324 = tpu.vector_load %arg10[%get3A_1322, %get3A_1323] {strides = array<i32>} : memref<128x128xf32, #tpu.memory_space<vmem>>, vector<1x16xf32>,
        %get3A_1325 = vector.shape_cast %get3A_1324 : vector<1x16xf32> to vector<16xf32>
        %mul3A_1326 = arith.mulf %get3A_1325, %broadcast_in_dim3A_1281 : vector<16xf32>
        %swap3A_1327 = arith.index_cast %add3A_1278 : i32 to index
        %swap3A_1328 = arith.constant 64 : index
        %swap3A_1329 = tpu.vector_load %arg10[%swap3A_1327, %swap3A_1328] {strides = array<i32>} : memref<128x128xf32, #tpu.memory_space<vmem>>, vector<1x16xf32>,
        %swap3A_1330 = vector.shape_cast %swap3A_1329 : vector<1x16xf32> to vector<16xf32>
        %swap3A_1331 = vector.shape_cast %mul3A_1326 : vector<16xf32> to vector<1x16xf32>
        tpu.vector_store %arg10[%swap3A_1327, %swap3A_1328], %swap3A_1331 {strides = array<i32>} : memref<128x128xf32, #tpu.memory_space<vmem>>, vector<1x16xf32>,
        %get3A_1332 = arith.index_cast %add3A_1278 : i32 to index
        %get3A_1333 = arith.constant 80 : index
        %get3A_1334 = tpu.vector_load %arg10[%get3A_1332, %get3A_1333] {strides = array<i32>} : memref<128x128xf32, #tpu.memory_space<vmem>>, vector<1x16xf32>,
        %get3A_1335 = vector.shape_cast %get3A_1334 : vector<1x16xf32> to vector<16xf32>
        %mul3A_1336 = arith.mulf %get3A_1335, %broadcast_in_dim3A_1281 : vector<16xf32>
        %swap3A_1337 = arith.index_cast %add3A_1278 : i32 to index
        %swap3A_1338 = arith.constant 80 : index
        %swap3A_1339 = tpu.vector_load %arg10[%swap3A_1337, %swap3A_1338] {strides = array<i32>} : memref<128x128xf32, #tpu.memory_space<vmem>>, vector<1x16xf32>,
        %swap3A_1340 = vector.shape_cast %swap3A_1339 : vector<1x16xf32> to vector<16xf32>
        %swap3A_1341 = vector.shape_cast %mul3A_1336 : vector<16xf32> to vector<1x16xf32>
        tpu.vector_store %arg10[%swap3A_1337, %swap3A_1338], %swap3A_1341 {strides = array<i32>} : memref<128x128xf32, #tpu.memory_space<vmem>>, vector<1x16xf32>,
        %get3A_1342 = arith.index_cast %add3A_1278 : i32 to index
        %get3A_1343 = arith.constant 96 : index
        %get3A_1344 = tpu.vector_load %arg10[%get3A_1342, %get3A_1343] {strides = array<i32>} : memref<128x128xf32, #tpu.memory_space<vmem>>, vector<1x16xf32>,
        %get3A_1345 = vector.shape_cast %get3A_1344 : vector<1x16xf32> to vector<16xf32>
        %mul3A_1346 = arith.mulf %get3A_1345, %broadcast_in_dim3A_1281 : vector<16xf32>
        %swap3A_1347 = arith.index_cast %add3A_1278 : i32 to index
        %swap3A_1348 = arith.constant 96 : index
        %swap3A_1349 = tpu.vector_load %arg10[%swap3A_1347, %swap3A_1348] {strides = array<i32>} : memref<128x128xf32, #tpu.memory_space<vmem>>, vector<1x16xf32>,
        %swap3A_1350 = vector.shape_cast %swap3A_1349 : vector<1x16xf32> to vector<16xf32>
        %swap3A_1351 = vector.shape_cast %mul3A_1346 : vector<16xf32> to vector<1x16xf32>
        tpu.vector_store %arg10[%swap3A_1347, %swap3A_1348], %swap3A_1351 {strides = array<i32>} : memref<128x128xf32, #tpu.memory_space<vmem>>, vector<1x16xf32>,
        %get3A_1352 = arith.index_cast %add3A_1278 : i32 to index
        %get3A_1353 = arith.constant 112 : index
        %get3A_1354 = tpu.vector_load %arg10[%get3A_1352, %get3A_1353] {strides = array<i32>} : memref<128x128xf32, #tpu.memory_space<vmem>>, vector<1x16xf32>,
        %get3A_1355 = vector.shape_cast %get3A_1354 : vector<1x16xf32> to vector<16xf32>
        %mul3A_1356 = arith.mulf %get3A_1355, %broadcast_in_dim3A_1281 : vector<16xf32>
        %swap3A_1357 = arith.index_cast %add3A_1278 : i32 to index
        %swap3A_1358 = arith.constant 112 : index
        %swap3A_1359 = tpu.vector_load %arg10[%swap3A_1357, %swap3A_1358] {strides = array<i32>} : memref<128x128xf32, #tpu.memory_space<vmem>>, vector<1x16xf32>,
        %swap3A_1360 = vector.shape_cast %swap3A_1359 : vector<1x16xf32> to vector<16xf32>
        %swap3A_1361 = vector.shape_cast %mul3A_1356 : vector<16xf32> to vector<1x16xf32>
        tpu.vector_store %arg10[%swap3A_1357, %swap3A_1358], %swap3A_1361 {strides = array<i32>} : memref<128x128xf32, #tpu.memory_space<vmem>>, vector<1x16xf32>,
        %mul3A_1362 = arith.constant 16 : i32
        %mul3A_1363 = arith.muli %scan3A_52, %mul3A_1362 : i32
        %add3A_1364 = arith.constant 15 : i32
        %add3A_1365 = arith.addi %mul3A_1363, %add3A_1364 : i32
        %slice3A_1366 = vector.extract_strided_slice %get3A_60 {offsets = [15], sizes = [1], strides = [1]} : vector<16xf32> to vector<1xf32>
        %squeeze3A_1367 = vector.extract %slice3A_1366[0] : f32 from vector<1xf32>
        %broadcast_in_dim3A_1368 = vector.broadcast %squeeze3A_1367 : f32 to vector<16xf32>
        %get3A_1369 = arith.index_cast %add3A_1365 : i32 to index
        %get3A_1370 = arith.constant 0 : index
        %get3A_1371 = tpu.vector_load %arg10[%get3A_1369, %get3A_1370] {strides = array<i32>} : memref<128x128xf32, #tpu.memory_space<vmem>>, vector<1x16xf32>,
        %get3A_1372 = vector.shape_cast %get3A_1371 : vector<1x16xf32> to vector<16xf32>
        %mul3A_1373 = arith.mulf %get3A_1372, %broadcast_in_dim3A_1368 : vector<16xf32>
        %swap3A_1374 = arith.index_cast %add3A_1365 : i32 to index
        %swap3A_1375 = arith.constant 0 : index
        %swap3A_1376 = tpu.vector_load %arg10[%swap3A_1374, %swap3A_1375] {strides = array<i32>} : memref<128x128xf32, #tpu.memory_space<vmem>>, vector<1x16xf32>,
        %swap3A_1377 = vector.shape_cast %swap3A_1376 : vector<1x16xf32> to vector<16xf32>
        %swap3A_1378 = vector.shape_cast %mul3A_1373 : vector<16xf32> to vector<1x16xf32>
        tpu.vector_store %arg10[%swap3A_1374, %swap3A_1375], %swap3A_1378 {strides = array<i32>} : memref<128x128xf32, #tpu.memory_space<vmem>>, vector<1x16xf32>,
        %get3A_1379 = arith.index_cast %add3A_1365 : i32 to index
        %get3A_1380 = arith.constant 16 : index
        %get3A_1381 = tpu.vector_load %arg10[%get3A_1379, %get3A_1380] {strides = array<i32>} : memref<128x128xf32, #tpu.memory_space<vmem>>, vector<1x16xf32>,
        %get3A_1382 = vector.shape_cast %get3A_1381 : vector<1x16xf32> to vector<16xf32>
        %mul3A_1383 = arith.mulf %get3A_1382, %broadcast_in_dim3A_1368 : vector<16xf32>
        %swap3A_1384 = arith.index_cast %add3A_1365 : i32 to index
        %swap3A_1385 = arith.constant 16 : index
        %swap3A_1386 = tpu.vector_load %arg10[%swap3A_1384, %swap3A_1385] {strides = array<i32>} : memref<128x128xf32, #tpu.memory_space<vmem>>, vector<1x16xf32>,
        %swap3A_1387 = vector.shape_cast %swap3A_1386 : vector<1x16xf32> to vector<16xf32>
        %swap3A_1388 = vector.shape_cast %mul3A_1383 : vector<16xf32> to vector<1x16xf32>
        tpu.vector_store %arg10[%swap3A_1384, %swap3A_1385], %swap3A_1388 {strides = array<i32>} : memref<128x128xf32, #tpu.memory_space<vmem>>, vector<1x16xf32>,
        %get3A_1389 = arith.index_cast %add3A_1365 : i32 to index
        %get3A_1390 = arith.constant 32 : index
        %get3A_1391 = tpu.vector_load %arg10[%get3A_1389, %get3A_1390] {strides = array<i32>} : memref<128x128xf32, #tpu.memory_space<vmem>>, vector<1x16xf32>,
        %get3A_1392 = vector.shape_cast %get3A_1391 : vector<1x16xf32> to vector<16xf32>
        %mul3A_1393 = arith.mulf %get3A_1392, %broadcast_in_dim3A_1368 : vector<16xf32>
        %swap3A_1394 = arith.index_cast %add3A_1365 : i32 to index
        %swap3A_1395 = arith.constant 32 : index
        %swap3A_1396 = tpu.vector_load %arg10[%swap3A_1394, %swap3A_1395] {strides = array<i32>} : memref<128x128xf32, #tpu.memory_space<vmem>>, vector<1x16xf32>,
        %swap3A_1397 = vector.shape_cast %swap3A_1396 : vector<1x16xf32> to vector<16xf32>
        %swap3A_1398 = vector.shape_cast %mul3A_1393 : vector<16xf32> to vector<1x16xf32>
        tpu.vector_store %arg10[%swap3A_1394, %swap3A_1395], %swap3A_1398 {strides = array<i32>} : memref<128x128xf32, #tpu.memory_space<vmem>>, vector<1x16xf32>,
        %get3A_1399 = arith.index_cast %add3A_1365 : i32 to index
        %get3A_1400 = arith.constant 48 : index
        %get3A_1401 = tpu.vector_load %arg10[%get3A_1399, %get3A_1400] {strides = array<i32>} : memref<128x128xf32, #tpu.memory_space<vmem>>, vector<1x16xf32>,
        %get3A_1402 = vector.shape_cast %get3A_1401 : vector<1x16xf32> to vector<16xf32>
        %mul3A_1403 = arith.mulf %get3A_1402, %broadcast_in_dim3A_1368 : vector<16xf32>
        %swap3A_1404 = arith.index_cast %add3A_1365 : i32 to index
        %swap3A_1405 = arith.constant 48 : index
        %swap3A_1406 = tpu.vector_load %arg10[%swap3A_1404, %swap3A_1405] {strides = array<i32>} : memref<128x128xf32, #tpu.memory_space<vmem>>, vector<1x16xf32>,
        %swap3A_1407 = vector.shape_cast %swap3A_1406 : vector<1x16xf32> to vector<16xf32>
        %swap3A_1408 = vector.shape_cast %mul3A_1403 : vector<16xf32> to vector<1x16xf32>
        tpu.vector_store %arg10[%swap3A_1404, %swap3A_1405], %swap3A_1408 {strides = array<i32>} : memref<128x128xf32, #tpu.memory_space<vmem>>, vector<1x16xf32>,
        %get3A_1409 = arith.index_cast %add3A_1365 : i32 to index
        %get3A_1410 = arith.constant 64 : index
        %get3A_1411 = tpu.vector_load %arg10[%get3A_1409, %get3A_1410] {strides = array<i32>} : memref<128x128xf32, #tpu.memory_space<vmem>>, vector<1x16xf32>,
        %get3A_1412 = vector.shape_cast %get3A_1411 : vector<1x16xf32> to vector<16xf32>
        %mul3A_1413 = arith.mulf %get3A_1412, %broadcast_in_dim3A_1368 : vector<16xf32>
        %swap3A_1414 = arith.index_cast %add3A_1365 : i32 to index
        %swap3A_1415 = arith.constant 64 : index
        %swap3A_1416 = tpu.vector_load %arg10[%swap3A_1414, %swap3A_1415] {strides = array<i32>} : memref<128x128xf32, #tpu.memory_space<vmem>>, vector<1x16xf32>,
        %swap3A_1417 = vector.shape_cast %swap3A_1416 : vector<1x16xf32> to vector<16xf32>
        %swap3A_1418 = vector.shape_cast %mul3A_1413 : vector<16xf32> to vector<1x16xf32>
        tpu.vector_store %arg10[%swap3A_1414, %swap3A_1415], %swap3A_1418 {strides = array<i32>} : memref<128x128xf32, #tpu.memory_space<vmem>>, vector<1x16xf32>,
        %get3A_1419 = arith.index_cast %add3A_1365 : i32 to index
        %get3A_1420 = arith.constant 80 : index
        %get3A_1421 = tpu.vector_load %arg10[%get3A_1419, %get3A_1420] {strides = array<i32>} : memref<128x128xf32, #tpu.memory_space<vmem>>, vector<1x16xf32>,
        %get3A_1422 = vector.shape_cast %get3A_1421 : vector<1x16xf32> to vector<16xf32>
        %mul3A_1423 = arith.mulf %get3A_1422, %broadcast_in_dim3A_1368 : vector<16xf32>
        %swap3A_1424 = arith.index_cast %add3A_1365 : i32 to index
        %swap3A_1425 = arith.constant 80 : index
        %swap3A_1426 = tpu.vector_load %arg10[%swap3A_1424, %swap3A_1425] {strides = array<i32>} : memref<128x128xf32, #tpu.memory_space<vmem>>, vector<1x16xf32>,
        %swap3A_1427 = vector.shape_cast %swap3A_1426 : vector<1x16xf32> to vector<16xf32>
        %swap3A_1428 = vector.shape_cast %mul3A_1423 : vector<16xf32> to vector<1x16xf32>
        tpu.vector_store %arg10[%swap3A_1424, %swap3A_1425], %swap3A_1428 {strides = array<i32>} : memref<128x128xf32, #tpu.memory_space<vmem>>, vector<1x16xf32>,
        %get3A_1429 = arith.index_cast %add3A_1365 : i32 to index
        %get3A_1430 = arith.constant 96 : index
        %get3A_1431 = tpu.vector_load %arg10[%get3A_1429, %get3A_1430] {strides = array<i32>} : memref<128x128xf32, #tpu.memory_space<vmem>>, vector<1x16xf32>,
        %get3A_1432 = vector.shape_cast %get3A_1431 : vector<1x16xf32> to vector<16xf32>
        %mul3A_1433 = arith.mulf %get3A_1432, %broadcast_in_dim3A_1368 : vector<16xf32>
        %swap3A_1434 = arith.index_cast %add3A_1365 : i32 to index
        %swap3A_1435 = arith.constant 96 : index
        %swap3A_1436 = tpu.vector_load %arg10[%swap3A_1434, %swap3A_1435] {strides = array<i32>} : memref<128x128xf32, #tpu.memory_space<vmem>>, vector<1x16xf32>,
        %swap3A_1437 = vector.shape_cast %swap3A_1436 : vector<1x16xf32> to vector<16xf32>
        %swap3A_1438 = vector.shape_cast %mul3A_1433 : vector<16xf32> to vector<1x16xf32>
        tpu.vector_store %arg10[%swap3A_1434, %swap3A_1435], %swap3A_1438 {strides = array<i32>} : memref<128x128xf32, #tpu.memory_space<vmem>>, vector<1x16xf32>,
        %get3A_1439 = arith.index_cast %add3A_1365 : i32 to index
        %get3A_1440 = arith.constant 112 : index
        %get3A_1441 = tpu.vector_load %arg10[%get3A_1439, %get3A_1440] {strides = array<i32>} : memref<128x128xf32, #tpu.memory_space<vmem>>, vector<1x16xf32>,
        %get3A_1442 = vector.shape_cast %get3A_1441 : vector<1x16xf32> to vector<16xf32>
        %mul3A_1443 = arith.mulf %get3A_1442, %broadcast_in_dim3A_1368 : vector<16xf32>
        %swap3A_1444 = arith.index_cast %add3A_1365 : i32 to index
        %swap3A_1445 = arith.constant 112 : index
        %swap3A_1446 = tpu.vector_load %arg10[%swap3A_1444, %swap3A_1445] {strides = array<i32>} : memref<128x128xf32, #tpu.memory_space<vmem>>, vector<1x16xf32>,
        %swap3A_1447 = vector.shape_cast %swap3A_1446 : vector<1x16xf32> to vector<16xf32>
        %swap3A_1448 = vector.shape_cast %mul3A_1443 : vector<16xf32> to vector<1x16xf32>
        tpu.vector_store %arg10[%swap3A_1444, %swap3A_1445], %swap3A_1448 {strides = array<i32>} : memref<128x128xf32, #tpu.memory_space<vmem>>, vector<1x16xf32>,
        %scan3A_1449 = arith.constant 0 : i32
        scf.yield %scan3A_1449 : i32
      }
      %scan3A_48 = arith.constant 8 : i32
      %mul3A_49 = arith.constant 128 : i32
      %mul3A_50 = arith.muli %scan3A_32, %mul3A_49 : i32
      "tpu.region"() ({
        %run_scoped3A = tpu.sem_alloc : memref<!tpu.dma_semaphore, #tpu.memory_space<semaphore_mem>>
        %dma_start3A_52 = tpu.memref_slice %arg8[%mul3A_50] : memref<10112xi32, #tpu.memory_space<vmem>> -> memref<128xi32, #tpu.memory_space<vmem>>
        %dma_start3A_53 = arith.constant 0 : i32
        %dma_start3A_54 = arith.constant 0 : i32
        %dma_start3A_55 = tpu.memref_slice %arg11[%dma_start3A_53, %dma_start3A_54] : memref<10000x128xf32, #tpu.memory_space<vmem_shared>> -> memref<10000x128xf32, #tpu.memory_space<vmem_shared>>
        tpu.enqueue_indirect_dma source(%arg10 : memref<128x128xf32, #tpu.memory_space<vmem>>) target(%dma_start3A_55 : memref<10000x128xf32, #tpu.memory_space<vmem_shared>>) offsets(%dma_start3A_52 : memref<128xi32, #tpu.memory_space<vmem>>) semaphore(%run_scoped3A : memref<!tpu.dma_semaphore, #tpu.memory_space<semaphore_mem>>) {add = true}
        %dma_wait3A_56 = tpu.memref_slice %arg8[%mul3A_50] : memref<10112xi32, #tpu.memory_space<vmem>> -> memref<128xi32, #tpu.memory_space<vmem>>
        %dma_wait3A_57 = arith.constant 0 : i32
        %dma_wait3A_58 = arith.constant 0 : i32
        %dma_wait3A_59 = tpu.memref_slice %arg11[%dma_wait3A_57, %dma_wait3A_58] : memref<10000x128xf32, #tpu.memory_space<vmem_shared>> -> memref<10000x128xf32, #tpu.memory_space<vmem_shared>>
        tpu.wait_indirect_dma semaphore(%run_scoped3A : memref<!tpu.dma_semaphore, #tpu.memory_space<semaphore_mem>>) src(%arg10 : memref<128x128xf32, #tpu.memory_space<vmem>>) dst(%dma_wait3A_59 : memref<10000x128xf32, #tpu.memory_space<vmem_shared>>)
        tpu.yield
      }) : () -> ()
      %scan3A_51 = arith.constant 0 : i32
      scf.yield %scan3A_51 : i32
    }
    %scan3A_21 = arith.constant 79 : i32
    %barrier3A_22 = arith.constant 0 : index
    tpu.barrier barrier_id(%barrier3A_22)
    %mul3A_23 = arith.constant 624 : i32
    %mul3A_24 = arith.muli %arg1, %mul3A_23 : i32
    %mul3A_25 = arith.constant 624 : i32
    %mul3A_26 = arith.muli %arg1, %mul3A_25 : i32
    "tpu.region"() ({
      %run_scoped3A = tpu.sem_alloc : memref<!tpu.dma_semaphore, #tpu.memory_space<semaphore_mem>>
      %dma_start3A = arith.constant 0 : i32
      %dma_start3A_32 = tpu.memref_slice %arg6[%arg0, %mul3A_26, %dma_start3A] : memref<2x10000x128xf32, #tpu.memory_space<hbm>> -> memref<1x624x128xf32, #tpu.memory_space<hbm>>
      %dma_start3A_33 = tpu.memref_squeeze %dma_start3A_32 : memref<1x624x128xf32, #tpu.memory_space<hbm>> -> memref<624x128xf32, #tpu.memory_space<hbm>>
      %dma_start3A_34 = arith.constant 0 : i32
      %dma_start3A_35 = tpu.memref_slice %arg11[%mul3A_24, %dma_start3A_34] : memref<10000x128xf32, #tpu.memory_space<vmem_shared>> -> memref<624x128xf32, #tpu.memory_space<vmem_shared>>
      tpu.enqueue_dma source(%dma_start3A_35 : memref<624x128xf32, #tpu.memory_space<vmem_shared>>) target(%dma_start3A_33 : memref<624x128xf32, #tpu.memory_space<hbm>>) target_semaphore(%run_scoped3A : memref<!tpu.dma_semaphore, #tpu.memory_space<semaphore_mem>>)
      %dma_wait3A = arith.constant 0 : i32
      %dma_wait3A_36 = tpu.memref_slice %arg6[%arg0, %mul3A_26, %dma_wait3A] : memref<2x10000x128xf32, #tpu.memory_space<hbm>> -> memref<1x624x128xf32, #tpu.memory_space<hbm>>
      %dma_wait3A_37 = tpu.memref_squeeze %dma_wait3A_36 : memref<1x624x128xf32, #tpu.memory_space<hbm>> -> memref<624x128xf32, #tpu.memory_space<hbm>>
      %dma_wait3A_38 = arith.constant 0 : i32
      %dma_wait3A_39 = tpu.memref_slice %arg11[%mul3A_24, %dma_wait3A_38] : memref<10000x128xf32, #tpu.memory_space<vmem_shared>> -> memref<624x128xf32, #tpu.memory_space<vmem_shared>>
      tpu.wait_dma2 semaphore(%run_scoped3A : memref<!tpu.dma_semaphore, #tpu.memory_space<semaphore_mem>>) src(%dma_wait3A_39 : memref<624x128xf32, #tpu.memory_space<vmem_shared>>) dst(%dma_wait3A_37 : memref<624x128xf32, #tpu.memory_space<hbm>>)
      tpu.yield
    }) : () -> ()
    %eq3A_27 = arith.constant 15 : i32
    %eq3A_28 = arith.cmpi eq, %arg1, %eq3A_27 : i32
    %convert_element_type3A_29 = arith.extui %eq3A_28 : i1 to i32
    %cond3A_30 = arith.constant 0 : i32
    %cond3A_31 = arith.cmpi ne, %convert_element_type3A_29, %cond3A_30 : i32
    scf.if %cond3A_31 {
      "tpu.region"() ({
        %run_scoped3A = tpu.sem_alloc : memref<!tpu.dma_semaphore, #tpu.memory_space<semaphore_mem>>
        %dma_start3A = arith.constant 9984 : i32
        %dma_start3A_32 = arith.constant 0 : i32
        %dma_start3A_33 = tpu.memref_slice %arg6[%arg0, %dma_start3A, %dma_start3A_32] : memref<2x10000x128xf32, #tpu.memory_space<hbm>> -> memref<1x16x128xf32, #tpu.memory_space<hbm>>
        %dma_start3A_34 = tpu.memref_squeeze %dma_start3A_33 : memref<1x16x128xf32, #tpu.memory_space<hbm>> -> memref<16x128xf32, #tpu.memory_space<hbm>>
        %dma_start3A_35 = arith.constant 9984 : i32
        %dma_start3A_36 = arith.constant 0 : i32
        %dma_start3A_37 = tpu.memref_slice %arg11[%dma_start3A_35, %dma_start3A_36] : memref<10000x128xf32, #tpu.memory_space<vmem_shared>> -> memref<16x128xf32, #tpu.memory_space<vmem_shared>>
        tpu.enqueue_dma source(%dma_start3A_37 : memref<16x128xf32, #tpu.memory_space<vmem_shared>>) target(%dma_start3A_34 : memref<16x128xf32, #tpu.memory_space<hbm>>) target_semaphore(%run_scoped3A : memref<!tpu.dma_semaphore, #tpu.memory_space<semaphore_mem>>)
        %dma_wait3A = arith.constant 9984 : i32
        %dma_wait3A_38 = arith.constant 0 : i32
        %dma_wait3A_39 = tpu.memref_slice %arg6[%arg0, %dma_wait3A, %dma_wait3A_38] : memref<2x10000x128xf32, #tpu.memory_space<hbm>> -> memref<1x16x128xf32, #tpu.memory_space<hbm>>
        %dma_wait3A_40 = tpu.memref_squeeze %dma_wait3A_39 : memref<1x16x128xf32, #tpu.memory_space<hbm>> -> memref<16x128xf32, #tpu.memory_space<hbm>>
        %dma_wait3A_41 = arith.constant 9984 : i32
        %dma_wait3A_42 = arith.constant 0 : i32
        %dma_wait3A_43 = tpu.memref_slice %arg11[%dma_wait3A_41, %dma_wait3A_42] : memref<10000x128xf32, #tpu.memory_space<vmem_shared>> -> memref<16x128xf32, #tpu.memory_space<vmem_shared>>
        tpu.wait_dma2 semaphore(%run_scoped3A : memref<!tpu.dma_semaphore, #tpu.memory_space<semaphore_mem>>) src(%dma_wait3A_43 : memref<16x128xf32, #tpu.memory_space<vmem_shared>>) dst(%dma_wait3A_40 : memref<16x128xf32, #tpu.memory_space<hbm>>)
        tpu.yield
      }) : () -> ()
    } else {
    }
    return
  }
}

module attributes {stable_mosaic.version = 14 : i64} {
  func.func @_mm_body(%arg0: i32, %arg1: memref<2x400x128xf32, #tpu.memory_space<vmem>>, %arg2: memref<128x128xf32, #tpu.memory_space<vmem>>, %arg3: memref<1x128xf32, #tpu.memory_space<vmem>>, %arg4: memref<400x2x128xf32, #tpu.memory_space<vmem>>) attributes {dimension_semantics = [#tpu.dimension_semantics<arbitrary>], iteration_bounds = array<i64: 25>, scalar_prefetch = 0 : i64, scratch_operands = 0 : i64, tpu.core_type = #tpu.core_type<tc>, window_params = [{transform_indices = @transform_0, window_bounds = array<i64: 2, 400, 128>}, {pipeline_mode = #tpu.pipeline_mode<synchronous>, transform_indices = @transform_1, window_bounds = array<i64: 128, 128>}, {pipeline_mode = #tpu.pipeline_mode<synchronous>, transform_indices = @transform_2, window_bounds = array<i64: 1, 128>}, {transform_indices = @transform_3, window_bounds = array<i64: 400, 2, 128>}]} {
    %get3A = arith.constant 0 : index
    %get3A_0 = arith.constant 0 : index
    %get3A_1 = vector.load %arg2[%get3A, %get3A_0] : memref<128x128xf32, #tpu.memory_space<vmem>>, vector<128x128xf32>
    %get3A_2 = arith.constant 0 : index
    %get3A_3 = arith.constant 0 : index
    %get3A_4 = vector.load %arg3[%get3A_2, %get3A_3] : memref<1x128xf32, #tpu.memory_space<vmem>>, vector<1x128xf32>
    %get3A_5 = arith.constant 0 : index
    %get3A_6 = arith.constant 0 : index
    %get3A_7 = arith.constant 0 : index
    %get3A_8 = vector.load %arg1[%get3A_5, %get3A_6, %get3A_7] : memref<2x400x128xf32, #tpu.memory_space<vmem>>, vector<1x400x128xf32>
    %get3A_9 = vector.shape_cast %get3A_8 : vector<1x400x128xf32> to vector<400x128xf32>
    %dot_general3A = arith.constant dense<0.000000e+00> : vector<400x128xf32>
    %dot_general3A_10 = tpu.matmul %get3A_9, %get3A_1, %dot_general3A {dimension_numbers = #tpu.dot_dimension_numbers<[1], [0], [0], [1], [0, 0, 1, 1], [], []>, transpose_lhs_hint = false} : vector<400x128xf32>, vector<128x128xf32>, vector<400x128xf32> -> vector<400x128xf32>
    %add3A = vector.broadcast %get3A_4 : vector<1x128xf32> to vector<400x128xf32>
    %add3A_11 = arith.addf %dot_general3A_10, %add3A : vector<400x128xf32>
    %get3A_12 = arith.constant 1 : index
    %get3A_13 = arith.constant 0 : index
    %get3A_14 = arith.constant 0 : index
    %get3A_15 = vector.load %arg1[%get3A_12, %get3A_13, %get3A_14] : memref<2x400x128xf32, #tpu.memory_space<vmem>>, vector<1x400x128xf32>
    %get3A_16 = vector.shape_cast %get3A_15 : vector<1x400x128xf32> to vector<400x128xf32>
    %dot_general3A_17 = arith.constant dense<0.000000e+00> : vector<400x128xf32>
    %dot_general3A_18 = tpu.matmul %get3A_16, %get3A_1, %dot_general3A_17 {dimension_numbers = #tpu.dot_dimension_numbers<[1], [0], [0], [1], [0, 0, 1, 1], [], []>, transpose_lhs_hint = false} : vector<400x128xf32>, vector<128x128xf32>, vector<400x128xf32> -> vector<400x128xf32>
    %add3A_19 = vector.broadcast %get3A_4 : vector<1x128xf32> to vector<400x128xf32>
    %add3A_20 = arith.addf %dot_general3A_18, %add3A_19 : vector<400x128xf32>
    %stack3A = vector.shape_cast %add3A_11 : vector<400x128xf32> to vector<400x1x128xf32>
    %stack3A_21 = vector.shape_cast %add3A_20 : vector<400x128xf32> to vector<400x1x128xf32>
    %stack3A_22 = tpu.concatenate %stack3A, %stack3A_21 in 1 : vector<400x1x128xf32>, vector<400x1x128xf32> -> vector<400x2x128xf32>
    %swap3A = arith.constant 0 : index
    %swap3A_23 = arith.constant 0 : index
    %swap3A_24 = arith.constant 0 : index
    %swap3A_25 = vector.load %arg4[%swap3A, %swap3A_23, %swap3A_24] : memref<400x2x128xf32, #tpu.memory_space<vmem>>, vector<400x2x128xf32>
    tpu.vector_store %arg4[%swap3A, %swap3A_23, %swap3A_24], %stack3A_22 {strides = array<i32>} : memref<400x2x128xf32, #tpu.memory_space<vmem>>, vector<400x2x128xf32>,
    return
  }
  func.func @transform_0(%arg0: i32) -> (i32, i32, i32) {
    %c0_i32 = arith.constant 0 : i32
    %c0_i32_0 = arith.constant 0 : i32
    %c0_i32_1 = arith.constant 0 : i32
    return %c0_i32, %arg0, %c0_i32_0 : i32, i32, i32
  }
  func.func @transform_1(%arg0: i32) -> (i32, i32) {
    %c0_i32 = arith.constant 0 : i32
    %c0_i32_0 = arith.constant 0 : i32
    %c0_i32_1 = arith.constant 0 : i32
    return %c0_i32, %c0_i32_0 : i32, i32
  }
  func.func @transform_2(%arg0: i32) -> (i32, i32) {
    %c0_i32 = arith.constant 0 : i32
    %c0_i32_0 = arith.constant 0 : i32
    %c0_i32_1 = arith.constant 0 : i32
    return %c0_i32, %c0_i32_0 : i32, i32
  }
  func.func @transform_3(%arg0: i32) -> (i32, i32, i32) {
    %c0_i32 = arith.constant 0 : i32
    %c0_i32_0 = arith.constant 0 : i32
    %c0_i32_1 = arith.constant 0 : i32
    return %arg0, %c0_i32, %c0_i32_0 : i32, i32, i32
  }
}

</mosaic_0001>

<sc_bundles>
// kernel: kernel.4.cloned.1.call-start
scs
__scs_entry_jumppad:
0x0: {  	(pc) =	sbr.rel $0x88, $3  }
0x1: {  	(tag) =	ssettag $0x0;
	lr =	simm.s32 $0x1  }
0x2: {  	[smem:$0x3F9C] =	sst lr;
	_ =	strace $0xD0000000  }
0x3: {  	_ = 	snop  }
0x4: {  	_ = 	snop  }
0x5: {  	_ = 	snop  }
0x6: {  	_ = 	snop  }
0x7: {  	_ = 	snop  }
__scs_overlays_trampoline_lowered:
0x8: {  	[smem:$0x3FAB] =	sst s0  }
0x9: {  	[smem:$0x3FAC] =	sst s1  }
0xa: {  	[smem:$0x3FAD] =	sst s2  }
0xb: {  	[smem:$0x3FAE] =	sst s3  }
0xc: {  	[smem:$0x3FAF] =	sst s4  }
0xd: {  	[smem:$0x3FB0] =	sst s5  }
0xe: {  	[smem:$0x3FB1] =	sst s6  }
0xf: {  	[smem:$0x3FB2] =	sst s7  }
0x10: {  	[smem:$0x3FB3] =	sst s8  }
0x11: {  	[smem:$0x3FB4] =	sst s9;
	s0 =	simm.s32 @!p0 $0x0  }
0x12: {  	s1 =	sld [smem:$0x3F9A];
	s0 =	simm.s32 @p0 $0x1  }
0x13: {  	[smem:$0x3FB5] =	sst s0;
	s0 =	simm.s32 @!p1 $0x0  }
0x14: {  	s2 =	sld [smem:$0x3F99];
	s0 =	simm.s32 @p1 $0x1  }
0x15: {  	[smem:$0x3FB6] =	sst s0;
	s0 =	simm.s32 @!p2 $0x0  }
0x16: {  	s3 =	sld [smem:$0x3FDB];
	s0 =	simm.s32 @p2 $0x1  }
0x17: {  	s4 =	simm.s32 $0x1BF5;
	[smem:$0x3FB8] =	sst s0  }
0x18: {  	s0 =	sld [smem:$0x3F9B];
	_ =	swait.ge [sflag:s4], $0x0  }
0x19: {  	s7 =	sld [smem:$0x3F9C]  }
0x1a: {  	s8 =	sadd.s32 $0xFFFFE003, lr  }
0x1b: {  	s9 =	sadd.s32 $0xFFFFFEF7, lr;
	s5 =	simm.s32 $0xFFFFFFFF;
	p2 =	slt.u32 s8, $0xFFFFF086  }
0x1c: {  	p1 =	slt.u32 s9, $0xF7A;
	s5 =	simm.s32 @!p2 $0x0  }
0x1d: {  	s5 =	simm.s32 @p1 $0x1;
	p0 =	seq.s32 s7, s2  }
0x1e: {  	s7 =	smul.u32 @!p0 $0xF7A, s2;
	p2 =	seq.s32 @!p0 s5, $0x0  }
0x1f: {  	s9 =	smul.u32 $0xF7A, s1;
	s8 =	simm.s32 @!p0 $0x1BF5;
	p2 =	por !p2, p0  }
0x20: {  	[sflag:s8] =	ssyncset.s32 @!p0 $0xFFFFF086;
	s6 =	sadd.s32 @!p0 s3, s7;
	s7 =	simm.s32 @!p0 $0x108  }
0x21: {  	s3 =	sadd.s32 s3, s9;
	s6 =	sadd.s32 @!p0 $0x88, s6;
	s7 =	simm.s32 @p2 $0x1082  }
0x22: {  	[simem:s7], [sflag:s8] =	dma.local @!p0 [hbm:s6], $0xF7A  }
0x23: {  	s9 =	sor.u32 $0xD0000000, s2;
	s6 =	simm.s32 $0x108;
	_ =	swait.ge @!p0 [sflag:s8], $0x0  }
0x24: {  	s3 =	sadd.s32 $0x88, s3;
	s6 =	simm.s32 @!p1 $0x1082;
	[sflag:s4] =	ssyncset.s32 $0xFFFFF086  }
0x25: {  	[simem:s6], [sflag:s4] =	dma.local [hbm:s3], $0xF7A  }
0x26: {  	[smem:$0x3F9C] =	sst s1;
	(tag) =	ssettag s2;
	_ =	strace s9  }
0x27: {  	s1 =	sld [smem:$0x3FAC]  }
0x28: {  	s2 =	sld [smem:$0x3FAD]  }
0x29: {  	s4 =	sld [smem:$0x3FAF]  }
0x2a: {  	p0 =	seq.s32 s5, $0x0;
	s5 =	sld [smem:$0x3FB0]  }
0x2b: {  	s6 =	sld [smem:$0x3FB1]  }
0x2c: {  	s7 =	sld [smem:$0x3FB2]  }
0x2d: {  	s3 =	simm.s32 $0x108;
	s8 =	sld [smem:$0x3FB3]  }
0x2e: {  	s3 =	simm.s32 @!p0 $0x1082;
	s9 =	sld [smem:$0x3FB4]  }
0x2f: {  	lr =	sadd.s32 s0, s3;
	s0 =	sld [smem:$0x3FAB]  }
0x30: {  	s3 =	sld [smem:$0x3FAE]  }
0x31: {  	[smem:$0x3FB7] =	sst s10  }
0x32: {  	s10 =	sld [smem:$0x3FB5];
	_ =	sdelay $0x3  }
0x33: {  	p0 =	seq.s32 s10, $0x1;
	s10 =	sld [smem:$0x3FB7];
	_ =	sdelay $0x3  }
0x34: {  	[smem:$0x3FB7] =	sst s10  }
0x35: {  	s10 =	sld [smem:$0x3FB6];
	_ =	sdelay $0x3  }
0x36: {  	p1 =	seq.s32 s10, $0x1;
	s10 =	sld [smem:$0x3FB7];
	_ =	sdelay $0x3  }
0x37: {  	[smem:$0x3FB7] =	sst s10  }
0x38: {  	s10 =	sld [smem:$0x3FB8]  }
0x39: {  	_ = 	snop;
	(pc) =	sbr.ind lr, $3  }
0x3a: {  	_ = 	snop  }
0x3b: {  	_ = 	snop  }
0x3c: {  	p2 =	seq.s32 s10, $0x1;
	s10 =	sld [smem:$0x3FB7]  }
0x3d: {  	_ =	shalt  }
0x3e: {  	_ =	shalt  }
0x3f: {  	_ =	shalt  }
0x40: {  	_ =	shalt  }
0x41: {  	_ =	shalt  }
0x42: {  	_ =	shalt  }
0x43: {  	_ =	shalt  }
0x44: {  	_ =	shalt  }
0x45: {  	_ =	shalt  }
0x46: {  	_ =	shalt  }
0x47: {  	_ =	shalt  }
0x48: {  	_ =	shalt  }
0x49: {  	_ =	shalt  }
0x4a: {  	_ =	shalt  }
0x4b: {  	_ =	shalt  }
0x4c: {  	_ =	shalt  }
0x4d: {  	_ =	shalt  }
0x4e: {  	_ =	shalt  }
0x4f: {  	_ =	shalt  }
0x50: {  	_ =	shalt  }
0x51: {  	_ =	shalt  }
0x52: {  	_ =	shalt  }
0x53: {  	_ =	shalt  }
0x54: {  	_ =	shalt  }
0x55: {  	_ =	shalt  }
0x56: {  	_ =	shalt  }
0x57: {  	_ =	shalt  }
0x58: {  	_ =	shalt  }
0x59: {  	_ =	shalt  }
0x5a: {  	_ =	shalt  }
0x5b: {  	_ =	shalt  }
0x5c: {  	_ =	shalt  }
0x5d: {  	_ =	shalt  }
0x5e: {  	_ =	shalt  }
0x5f: {  	_ =	shalt  }
0x60: {  	_ =	shalt  }
0x61: {  	_ =	shalt  }
0x62: {  	_ =	shalt  }
0x63: {  	_ =	shalt  }
0x64: {  	_ =	shalt  }
0x65: {  	_ =	shalt  }
0x66: {  	_ =	shalt  }
0x67: {  	_ =	shalt  }
0x68: {  	_ =	shalt  }
0x69: {  	_ =	shalt  }
0x6a: {  	_ =	shalt  }
0x6b: {  	_ =	shalt  }
0x6c: {  	_ =	shalt  }
0x6d: {  	_ =	shalt  }
0x6e: {  	_ =	shalt  }
0x6f: {  	_ =	shalt  }
0x70: {  	_ =	shalt  }
0x71: {  	_ =	shalt  }
0x72: {  	_ =	shalt  }
0x73: {  	_ =	shalt  }
0x74: {  	_ =	shalt  }
0x75: {  	_ =	shalt  }
0x76: {  	_ =	shalt  }
0x77: {  	_ =	shalt  }
0x78: {  	_ =	shalt  }
0x79: {  	_ =	shalt  }
0x7a: {  	_ =	shalt  }
0x7b: {  	_ =	shalt  }
0x7c: {  	_ =	shalt  }
0x7d: {  	_ =	shalt  }
0x7e: {  	_ =	shalt  }
0x7f: {  	_ =	shalt  }
0x80: {  	_ =	shalt  }
0x81: {  	_ =	shalt  }
0x82: {  	_ =	shalt  }
0x83: {  	_ =	shalt  }
0x84: {  	_ =	shalt  }
0x85: {  	_ =	shalt  }
0x86: {  	_ =	shalt  }
0x87: {  	_ =	shalt  }
.Lfunc_end0:
.L_simem_size_0:
called_computation_lowered:
.L_overlay_start_0:
0x88: {  	s2 =	sld [smem:$0x3FD9]  }
0x89: {  	s3 =	sld [smem:$0x3FFE];
	_ =	sdelay $0x1  }
0x8a: {  	s1 =	srdreg.scid  }
0x8b: {  	s0 =	sand.u32 $0x1, s1  }
0x8c: {  	s17 =	sshll.u32 s0, $0xA;
	s2 =	sadd.s32 s3, s2  }
0x8d: {  	s2 =	sadd.s32 s2, s17  }
0x8e: {  	[smem:$0x3FC3] =	sst s2  }
0x8f: {  	_ = 	snop  }
0x90: {  	s2 =	sld [smem:$0x3FD0];
	(tm) =	ssettm $0x1  }
0x91: {  	s18 =	sld [smem:$0x3FFB];
	_ =	sdelay $0x3  }
0x92: {  	_ =	strace s18  }
0x93: {  	s3 =	sld [smem:$0x3FFC];
	_ =	sdelay $0x3  }
0x94: {  	_ =	strace s3  }
0x95: {  	s3 =	sld [smem:$0x3FFD];
	_ =	sdelay $0x3  }
0x96: {  	_ =	strace s3  }
0x97: {  	_ =	strace $0x8FFFFFFF  }
0x98: {  	s19 =	sld [smem:$0x3FDB];
	_ =	sdelay $0x1  }
0x99: {  	s4 =	simm.s32 $_scs_section_size  }
0x9a: {  	s5 =	simm.s32 $_size__tile_overlayer_lowered;
	s6 =	simm.s32 $_tile_overlayer_lowered  }
0x9b: {  	s22 =	simm.s32 $0x1BFF;
	s21 =	sshll.u32 s6, $0x1;
	s3 =	sadd.s32 s4, s19  }
0x9c: {  	s7 =	simm.s32 $0x0;
	s20 =	sshll.u32 s5, $0x1;
	s5 =	sadd.s32 s21, s3  }
0x9d: {  	[timem:s7], [sflag:s22] =	dma.local [hbm:s5], s20  }
0x9e: {  	_ =	swait.ge [sflag:s22], s20  }
0x9f: {  	s4 =	ssub.s32 $0x0, s20;
	[sflag:s22] =	ssyncset.done $0x0  }
0xa0: {  	[sflag:s22] =	ssyncadd.s32 s4;
	_ =	sdelay $0x1  }
0xa1: {  	s23 =	simm.s32 $0x1B8B  }
0xa2: {  	_ =	swait.ge [sflag:s23], $0x1  }
0xa3: {  	[sflag:s23] =	ssyncset.done $0x0  }
0xa4: {  	s25 =	simm.s32 $0x1B8E;
	s24 =	sld [smem:$0x3FFE];
	[sflag:s23] =	ssyncadd.s32 $0xFFFFFFFF  }
0xa5: {  	s26 =	simm.s32 $execute0_lowered;
	[smem:$0x3FD2] =	sst s25  }
0xa6: {  	s5 =	sshll.u32 s26, $0x1;
	_ =	strace $0x80000046;
	[dreg:$0x1] =	wrdreg $0xFFFFFFFF  }
0xa7: {  	s28 =	simm.s32 $_size_execute0_lowered;
	s3 =	sadd.s32 s3, s5;
	[dreg:$0x0] =	wrdreg $0x0  }
0xa8: {  	s5 =	sshll.u32 s28, $0x1;
	[dreg:$0x2] =	wrdreg s3  }
0xa9: {  	[dreg:$0x3] =	wrdreg s5  }
0xaa: {  	[dreg:$0x4] =	wrdreg $0xC0  }
0xab: {  	_ =	task [dreg:s7], $0x5FFFF  }
0xac: {  	[dreg:$0x1] =	wrdreg $0xFFFFFFFF  }
0xad: {  	[dreg:$0x0] =	wrdreg $0x60  }
0xae: {  	[dreg:$0x2] =	wrdreg s2  }
0xaf: {  	[dreg:$0x3] =	wrdreg s24  }
0xb0: {  	[dreg:$0x4] =	wrdreg $0xB6800  }
0xb1: {  	[dreg:$0x5] =	wrdreg $0x9  }
0xb2: {  	_ =	task.clear_ibuf [dreg:s7], $0x6FFFF;
	_ =	strace $0x90000046  }
0xb3: {  	s29 =	simm.s32 $0x9;
	_ =	strace $0x80000048  }
0xb4: {  	_ =	swait.ge [sflag:s29], $0x1  }
0xb5: {  	[sflag:s29] =	ssyncadd.s32 $0xFFFFFFFF  }
0xb6: {  	_ =	strace $0x90000048  }
0xb7: {  	_ =	sfence  }
0xb8: {  	s30 =	sld [smem:$0x0];
	_ =	sdelay $0x2  }
0xb9: {  	s31 =	sshll.u32 s1, $0xD;
	s1 =	sshrl.u32 s1, $0x2  }
0xba: {  	s3 =	sand.u32 $0x4000, s31;
	s1 =	sadd.s32 s1, s30  }
0xbb: {  	s0 =	sor.u32 s3, s0;
	s1 =	sshll.u32 s1, $0x11  }
0xbc: {  	s0 =	sor.u32 s1, s0  }
0xbd: {  	s0 =	sadd.s32 $0x8F2B, s0  }
0xbe: {  	[sflag:s0] =	ssyncadd.remote.s32 $0x1  }
0xbf: {  	_ =	sfence.sel $0xFFFF  }
0xc0: {  	[dreg:$0x0] =	wrdreg $0xFFFFFFFF;
	(pc) =	sbr.abs _section_cstart, $3  }
0xc1: {  	[dreg:$0x1] =	wrdreg $0xFFFFFFFF  }
0xc2: {  	_ =	task.clear_ibuf [dreg:s7], $0x2FFFF;
	_ =	strace $0x9FFFFFFF  }
0xc3: {  	(tm) =	ssettm $0x7FFFFFFF  }
tec
execute0_lowered:
.L_overlay_start_1:
0x0: {  	(tag) =	ssettag $0x1  }
0x1: {  	s1 =	rddreg [dreg:$0x0]  }
0x2: {  	s5 =	rddreg [dreg:$0x1]  }
0x3: {  	s3 =	rddreg [dreg:$0x2]  }
0x4: {  	s0 =	rddreg [dreg:$0x3]  }
0x5: {  	s4 =	simm.s32 $0x0;
	s2 =	stileid.u32;
	s6 =	srdreg.scid  }
0x6: {  	s14 =	simm.s32 $0x400;
	s15 =	simm.s32 $0x2;
	s16 =	simm.s32 $0x2780  }
0x7: {  	s17 =	simm.s32 $0x4F00;
	s22 =	simm.s32 $0x1;
	s23 =	simm.s32 $0x0  }
0x8: {  	[smem:$0x7FF] =	sst s4;
	s7 =	sshrl.u32 s2, $0x3;
	s26 =	smul.u32 $0x4E000, s2  }
0x9: {  	s6 =	sand.u32 $0x1, s6;
	s8 =	sshll.u32 s2, $0x7;
	s12 =	smul.u32 $0x270, s2  }
0xa: {  	s11 =	sadd.s32 $0xF000, s5;
	s29 =	smul.u32 $0x13800, s2;
	s20 =	sadd.s32 $0x138000, s3  }
0xb: {  	p0 =	sne.s32 s2, $0xF;
	s18 =	sshll.u32 s2, $0x6;
	s7 =	smul.u32 $0x13C00, s7  }
0xc: {  	_ =	strace $0x80000047;
	s8 =	sand.u32 $0x380, s8;
	s21 =	smul.u32 $0x2710, s6  }
0xd: {  	s9 =	ssub.s32 $0x2, s6;
	s28 =	smul.u32 $0x138800, s6;
	s18 =	sor.u32 $0x1C02, s18  }
0xe: {  	s20 =	sshrl.u32 @!p0 s20, $0x3;
	s10 =	sshrl.u32 s9, $0x1;
	s7 =	sor.u32 s8, s7  }
0xf: {  	s13 =	ssub.s32 s9, s10;
	s8 =	sshrl.u32 s26, $0x2;
	s30 =	sadd.s32 s12, s21  }
0x10: {  	s31 =	sshrl.u32 s28, $0x3;
	s9 =	sadd.s32 s29, s28;
	v0 =	vmov s21;
	s21 =	simm.s32 $0x7680  }
0x11: {  	s7 =	sshrl.u32 s7, $0x3;
	s19 =	sadd.s32 s8, s3;
	s8 =	sshll.u32 s30, $0x4  }
0x12: {  	s12 =	sadd.s32 $0x27000, s31;
	s10 =	sshrl.u32 s9, $0x3;
	s5 =	sadd.s32 s5, s7  }
0x13: {  	s8 =	sadd.s32 s1, s8;
	s9 =	sadd.s32 s1, s12;
	s10 =	sadd.s32 s11, s10  }
0x14: {  	s11 =	sadd.s32 s11, s12;
	s12 =	smax.u32 s13, $0x1;
	s13 =	simm.s32 $0x80  }
0x15: {  	s19 =	sshrl.u32 s19, $0x3;
	s6 =	sadd.s32 $0x5000, s5;
	s7 =	sadd.s32 $0xA000, s5  }
.LBB2_1:
0x16: {  	[tilespmem:s4], [sflag:$0x2] =	stream.strided.gather [hbm4b:s5+s13], $0x2780, s14, s13, $0x38;
	[tilespmem:$0x1EF00] =	vst v63  }
0x17: {  	_ =	swait.ge [sflag:s15], $0x2780  }
0x18: {  	[sflag:s15] =	ssyncset.done $0x0  }
0x19: {  	[sflag:s15] =	ssyncadd.s32 $0xFFFFD880  }
0x1a: {  	[tilespmem:s16], [sflag:$0x2] =	stream.strided.gather [hbm4b:s6+s13], $0x2780, s14, s13, $0x38;
	[tilespmem:$0x1EF00] =	vst v63  }
0x1b: {  	_ =	swait.ge [sflag:s15], $0x2780  }
0x1c: {  	[sflag:s15] =	ssyncset.done $0x0  }
0x1d: {  	[sflag:s15] =	ssyncadd.s32 $0xFFFFD880  }
0x1e: {  	[tilespmem:s17], [sflag:$0x2] =	stream.strided.gather [hbm4b:s7+s13], $0x2780, s14, s13, $0x38;
	[tilespmem:$0x1EF00] =	vst v63  }
0x1f: {  	_ =	swait.ge [sflag:s15], $0x2780  }
0x20: {  	[sflag:s15] =	ssyncset.done $0x0  }
0x21: {  	s24 =	simm.s32 $0x0;
	s25 =	simm.s32 $0x40;
	[sflag:s15] =	ssyncadd.s32 $0xFFFFD880  }
.LBB2_2:
0x22: {  	p1 =	sne.s32 s25, $0x9DC0;
	v1 =	vld [tilespmem:s24+$0x0];
	_ =	sdelay $0x1  }
.Ltmp0:
0x23: {  	(pc) =	sbr.rel @p1 .LBB2_2-.Ltmp0, $3  }
0x24: {  	_ =	sdelay $0x1  }
0x25: {  	v1 =	vadd.s32 v0, v1  }
0x26: {  	[tilespmem:s24+$0x0] =	vst v1;
	s24 =	sshra.s32 s25, $0x2;
	s25 =	sadd.s32 $0x40, s25  }
0x27: {  	v1 =	vld [tilespmem:s24+$0x0];
	_ =	sdelay $0x4  }
0x28: {  	v1 =	vadd.s32 v0, v1  }
0x29: {  	[tilespmem:s24+$0x0] =	vst v1  }
0x2a: {  	[spmem:s19], [sflag:s18] =	dma.local [hbm:s8], $0x2700  }
0x2b: {  	_ =	swait.ge [sflag:s15], $0x2700  }
0x2c: {  	[sflag:s15] =	ssyncset.done $0x0  }
0x2d: {  	s24 =	simm.s32 @!p0 $0x2;
	[sflag:s15] =	ssyncadd.s32 $0xFFFFD900  }
0x2e: {  	[spmem:s20], [sflag:s18] =	dma.local @!p0 [hbm:s9], $0x100  }
0x2f: {  	_ =	swait.ge @!p0 [sflag:s24], $0x100  }
0x30: {  	[sflag:s24] =	ssyncset.done @!p0 $0x0  }
0x31: {  	[sflag:s24] =	ssyncadd.s32 @!p0 $0xFFFFFF00  }
0x32: {  	s24 =	simm.s32 $0x0;
	[bflag:$0x0] =	sbarrier.arrive $0xFFFF  }
.LBB2_4:
0x33: {  	s25 =	sshll.u32 s24, $0x7  }
0x34: {  	[tilespmem:s21], [sflag:$0x1] =	stream.indirect.gather [hbm4b:s1+s13], $0x80, s25, s13, $0xb8;
	[tilespmem:$0x1EF00] =	vst v63  }
0x35: {  	s26 =	sand.u32 $0x3FFFFF80, s25  }
0x36: {  	s26 =	sadd.s32 $0x4F00, s26  }
0x37: {  	_ =	swait.ge [sflag:s22], $0x4000;
	v1 =	vmov s26  }
0x38: {  	[sflag:s22] =	ssyncset.done $0x0  }
0x39: {  	s26 =	simm.s32 $0x0;
	[sflag:s22] =	ssyncadd.s32 $0xFFFFC000  }
.LBB2_5:
0x3a: {  	s28 =	sshll.u32 s26, $0x4  }
0x3b: {  	s28 =	sand.u32 $0x3FFFFFF0, s28  }
0x3c: {  	s31 =	sshll.u32 s26, $0xB;
	v2 =	vld.idx.msk [tilespmem:v1+s28+$0x0 ss:$0x1], $0xffff  }
0x3d: {  	s28 =	sand.u32 $0x3FFFF800, s31  }
0x3e: {  	v3 =	vld [tilespmem:s28+$0x7680]  }
0x3f: {  	v4 =	vld [tilespmem:s28+$0x7690]  }
0x40: {  	v5 =	vld [tilespmem:s28+$0x76A0]  }
0x41: {  	v7 =	vld [tilespmem:s28+$0x76B0];
	v6 =	vbroadcast v2, $0x0  }
0x42: {  	v8 =	vld [tilespmem:s28+$0x76C0]  }
0x43: {  	v9 =	vld [tilespmem:s28+$0x76D0];
	v3 =	vmul.f32 v6, v3  }
0x44: {  	v10 =	vld [tilespmem:s28+$0x76E0];
	v4 =	vmul.f32 v4, v6  }
0x45: {  	v24 =	vld [tilespmem:s28+$0x76F0];
	[tilespmem:s28+$0x7680] =	vst v3;
	v3 =	vmul.f32 v5, v6  }
0x46: {  	v26 =	vld [tilespmem:s28+$0x7700];
	v25 =	vmul.f32 v7, v6;
	[tilespmem:s28+$0x7690] =	vst v4  }
0x47: {  	v27 =	vld [tilespmem:s28+$0x7710];
	[tilespmem:s28+$0x76A0] =	vst v3;
	v3 =	vmul.f32 v8, v6  }
0x48: {  	v29 =	vld [tilespmem:s28+$0x7720];
	v28 =	vmul.f32 v9, v6;
	[tilespmem:s28+$0x76B0] =	vst v25  }
0x49: {  	v11 =	vld [tilespmem:s28+$0x7730];
	v30 =	vbroadcast v2, $0x1;
	[tilespmem:s28+$0x76C0] =	vst v3;
	v3 =	vmul.f32 v10, v6  }
0x4a: {  	v32 =	vld [tilespmem:s28+$0x7740];
	v31 =	vmul.f32 v24, v6;
	[tilespmem:s28+$0x76D0] =	vst v28  }
0x4b: {  	v33 =	vld [tilespmem:s28+$0x7750];
	[tilespmem:s28+$0x76E0] =	vst v3;
	v3 =	vmul.f32 v26, v30  }
0x4c: {  	v35 =	vld [tilespmem:s28+$0x7760];
	v34 =	vmul.f32 v27, v30;
	[tilespmem:s28+$0x76F0] =	vst v31  }
0x4d: {  	v36 =	vld [tilespmem:s28+$0x7770];
	[tilespmem:s28+$0x7700] =	vst v3;
	v3 =	vmul.f32 v29, v30  }
0x4e: {  	v38 =	vld [tilespmem:s28+$0x7780];
	v37 =	vmul.f32 v11, v30;
	[tilespmem:s28+$0x7710] =	vst v34  }
0x4f: {  	v39 =	vld [tilespmem:s28+$0x7790];
	[tilespmem:s28+$0x7720] =	vst v3;
	v3 =	vmul.f32 v32, v30  }
0x50: {  	v41 =	vld [tilespmem:s28+$0x77A0];
	v40 =	vmul.f32 v33, v30;
	[tilespmem:s28+$0x7730] =	vst v37  }
0x51: {  	v43 =	vld [tilespmem:s28+$0x77B0];
	v42 =	vbroadcast v2, $0x2;
	[tilespmem:s28+$0x7740] =	vst v3;
	v3 =	vmul.f32 v35, v30  }
0x52: {  	v45 =	vld [tilespmem:s28+$0x77C0];
	v44 =	vmul.f32 v36, v30;
	[tilespmem:s28+$0x7750] =	vst v40  }
0x53: {  	v46 =	vld [tilespmem:s28+$0x77D0];
	[tilespmem:s28+$0x7760] =	vst v3;
	v3 =	vmul.f32 v38, v42  }
0x54: {  	v48 =	vld [tilespmem:s28+$0x77E0];
	v47 =	vmul.f32 v39, v42;
	[tilespmem:s28+$0x7770] =	vst v44  }
0x55: {  	v49 =	vld [tilespmem:s28+$0x77F0];
	[tilespmem:s28+$0x7780] =	vst v3;
	v3 =	vmul.f32 v41, v42  }
0x56: {  	v51 =	vld [tilespmem:s28+$0x7800];
	v50 =	vmul.f32 v43, v42;
	[tilespmem:s28+$0x7790] =	vst v47  }
0x57: {  	v52 =	vld [tilespmem:s28+$0x7810];
	[tilespmem:s28+$0x77A0] =	vst v3;
	v3 =	vmul.f32 v45, v42  }
0x58: {  	v54 =	vld [tilespmem:s28+$0x7820];
	v53 =	vmul.f32 v46, v42;
	[tilespmem:s28+$0x77B0] =	vst v50  }
0x59: {  	v56 =	vld [tilespmem:s28+$0x7830];
	v55 =	vbroadcast v2, $0x3;
	[tilespmem:s28+$0x77C0] =	vst v3;
	v3 =	vmul.f32 v48, v42  }
0x5a: {  	v58 =	vld [tilespmem:s28+$0x7840];
	v57 =	vmul.f32 v49, v42;
	[tilespmem:s28+$0x77D0] =	vst v53  }
0x5b: {  	v59 =	vld [tilespmem:s28+$0x7850];
	[tilespmem:s28+$0x77E0] =	vst v3;
	v3 =	vmul.f32 v51, v55  }
0x5c: {  	v61 =	vld [tilespmem:s28+$0x7860];
	v60 =	vmul.f32 v52, v55;
	[tilespmem:s28+$0x77F0] =	vst v57  }
0x5d: {  	v62 =	vld [tilespmem:s28+$0x7870];
	[tilespmem:s28+$0x7800] =	vst v3;
	v3 =	vmul.f32 v54, v55  }
0x5e: {  	v12 =	vld [tilespmem:s28+$0x7880];
	v63 =	vmul.f32 v56, v55;
	[tilespmem:s28+$0x7810] =	vst v60  }
0x5f: {  	v13 =	vld [tilespmem:s28+$0x7890];
	[tilespmem:s28+$0x7820] =	vst v3;
	v3 =	vmul.f32 v58, v55  }
0x60: {  	v15 =	vld [tilespmem:s28+$0x78A0];
	v14 =	vmul.f32 v59, v55;
	[tilespmem:s28+$0x7830] =	vst v63  }
0x61: {  	v17 =	vld [tilespmem:s28+$0x78B0];
	v16 =	vbroadcast v2, $0x4;
	[tilespmem:s28+$0x7840] =	vst v3;
	v3 =	vmul.f32 v61, v55  }
0x62: {  	v19 =	vld [tilespmem:s28+$0x78C0];
	v18 =	vmul.f32 v62, v55;
	[tilespmem:s28+$0x7850] =	vst v14  }
0x63: {  	v20 =	vld [tilespmem:s28+$0x78D0];
	[tilespmem:s28+$0x7860] =	vst v3;
	v3 =	vmul.f32 v12, v16  }
0x64: {  	v22 =	vld [tilespmem:s28+$0x78E0];
	v21 =	vmul.f32 v13, v16;
	[tilespmem:s28+$0x7870] =	vst v18  }
0x65: {  	v23 =	vld [tilespmem:s28+$0x78F0];
	[tilespmem:s28+$0x7880] =	vst v3;
	v3 =	vmul.f32 v15, v16  }
0x66: {  	v24 =	vmul.f32 v17, v16;
	[tilespmem:s28+$0x7890] =	vst v21;
	v25 =	vld [tilespmem:s28+$0x7900]  }
0x67: {  	v33 =	vld [tilespmem:s28+$0x7950];
	[tilespmem:s28+$0x78A0] =	vst v3;
	v3 =	vmul.f32 v19, v16  }
0x68: {  	v27 =	vmul.f32 v20, v16;
	[tilespmem:s28+$0x78B0] =	vst v24;
	v28 =	vld [tilespmem:s28+$0x7920]  }
0x69: {  	v36 =	vld [tilespmem:s28+$0x7970];
	v29 =	vbroadcast v2, $0x5;
	[tilespmem:s28+$0x78C0] =	vst v3;
	v3 =	vmul.f32 v22, v16  }
0x6a: {  	[tilespmem:s28+$0x78D0] =	vst v27;
	v31 =	vmul.f32 v23, v16;
	v32 =	vld [tilespmem:s28+$0x7940]  }
0x6b: {  	v26 =	vld [tilespmem:s28+$0x7910];
	[tilespmem:s28+$0x78E0] =	vst v3;
	v3 =	vmul.f32 v25, v29  }
0x6c: {  	[tilespmem:s28+$0x78F0] =	vst v31;
	v40 =	vmul.f32 v33, v29;
	v35 =	vld [tilespmem:s28+$0x7960]  }
0x6d: {  	v30 =	vld [tilespmem:s28+$0x7930];
	[tilespmem:s28+$0x7900] =	vst v3;
	v3 =	vmul.f32 v28, v29  }
0x6e: {  	v44 =	vmul.f32 v36, v29;
	[tilespmem:s28+$0x7950] =	vst v40;
	v38 =	vld [tilespmem:s28+$0x7980]  }
0x6f: {  	v39 =	vld [tilespmem:s28+$0x7990];
	[tilespmem:s28+$0x7920] =	vst v3;
	v3 =	vmul.f32 v32, v29  }
0x70: {  	v34 =	vmul.f32 v26, v29;
	[tilespmem:s28+$0x7970] =	vst v44;
	v41 =	vld [tilespmem:s28+$0x79A0]  }
0x71: {  	v43 =	vld [tilespmem:s28+$0x79B0];
	v42 =	vbroadcast v2, $0x6;
	[tilespmem:s28+$0x7940] =	vst v3;
	v3 =	vmul.f32 v35, v29  }
0x72: {  	[tilespmem:s28+$0x7910] =	vst v34;
	v37 =	vmul.f32 v30, v29;
	v45 =	vld [tilespmem:s28+$0x79C0]  }
0x73: {  	v46 =	vld [tilespmem:s28+$0x79D0];
	[tilespmem:s28+$0x7960] =	vst v3;
	v3 =	vmul.f32 v38, v42  }
0x74: {  	[tilespmem:s28+$0x7930] =	vst v37;
	v48 =	vld [tilespmem:s28+$0x79E0];
	v47 =	vmul.f32 v39, v42  }
0x75: {  	v49 =	vld [tilespmem:s28+$0x79F0];
	[tilespmem:s28+$0x7980] =	vst v3;
	v3 =	vmul.f32 v41, v42  }
0x76: {  	v50 =	vmul.f32 v43, v42;
	v51 =	vld [tilespmem:s28+$0x7A00];
	[tilespmem:s28+$0x7990] =	vst v47  }
0x77: {  	v52 =	vld [tilespmem:s28+$0x7A10];
	[tilespmem:s28+$0x79A0] =	vst v3;
	v3 =	vmul.f32 v45, v42  }
0x78: {  	v53 =	vmul.f32 v46, v42;
	[tilespmem:s28+$0x79B0] =	vst v50;
	v54 =	vld [tilespmem:s28+$0x7A20]  }
0x79: {  	v56 =	vld [tilespmem:s28+$0x7A30];
	v55 =	vbroadcast v2, $0x7;
	[tilespmem:s28+$0x79C0] =	vst v3;
	v3 =	vmul.f32 v48, v42  }
0x7a: {  	v57 =	vmul.f32 v49, v42;
	[tilespmem:s28+$0x79D0] =	vst v53;
	v58 =	vld [tilespmem:s28+$0x7A40]  }
0x7b: {  	v59 =	vld [tilespmem:s28+$0x7A50];
	[tilespmem:s28+$0x79E0] =	vst v3;
	v3 =	vmul.f32 v51, v55  }
0x7c: {  	[tilespmem:s28+$0x79F0] =	vst v57;
	v61 =	vld [tilespmem:s28+$0x7A60];
	v60 =	vmul.f32 v52, v55  }
0x7d: {  	v62 =	vld [tilespmem:s28+$0x7A70];
	[tilespmem:s28+$0x7A00] =	vst v3;
	v3 =	vmul.f32 v54, v55  }
0x7e: {  	v63 =	vmul.f32 v56, v55;
	v12 =	vld [tilespmem:s28+$0x7A80];
	[tilespmem:s28+$0x7A10] =	vst v60  }
0x7f: {  	v13 =	vld [tilespmem:s28+$0x7A90];
	[tilespmem:s28+$0x7A20] =	vst v3;
	v3 =	vmul.f32 v58, v55  }
0x80: {  	v14 =	vmul.f32 v59, v55;
	[tilespmem:s28+$0x7A30] =	vst v63;
	v15 =	vld [tilespmem:s28+$0x7AA0]  }
0x81: {  	v17 =	vld [tilespmem:s28+$0x7AB0];
	v16 =	vbroadcast v2, $0x8;
	[tilespmem:s28+$0x7A40] =	vst v3;
	v3 =	vmul.f32 v61, v55  }
0x82: {  	v18 =	vmul.f32 v62, v55;
	[tilespmem:s28+$0x7A50] =	vst v14;
	v19 =	vld [tilespmem:s28+$0x7AC0]  }
0x83: {  	v20 =	vld [tilespmem:s28+$0x7AD0];
	[tilespmem:s28+$0x7A60] =	vst v3;
	v3 =	vmul.f32 v12, v16  }
0x84: {  	[tilespmem:s28+$0x7A70] =	vst v18;
	v22 =	vld [tilespmem:s28+$0x7AE0];
	v21 =	vmul.f32 v13, v16  }
0x85: {  	v23 =	vld [tilespmem:s28+$0x7AF0];
	[tilespmem:s28+$0x7A80] =	vst v3;
	v3 =	vmul.f32 v15, v16  }
0x86: {  	v24 =	vmul.f32 v17, v16;
	v25 =	vld [tilespmem:s28+$0x7B00];
	[tilespmem:s28+$0x7A90] =	vst v21  }
0x87: {  	v26 =	vld [tilespmem:s28+$0x7B10];
	[tilespmem:s28+$0x7AA0] =	vst v3;
	v3 =	vmul.f32 v19, v16  }
0x88: {  	v27 =	vmul.f32 v20, v16;
	[tilespmem:s28+$0x7AB0] =	vst v24;
	v28 =	vld [tilespmem:s28+$0x7B20]  }
0x89: {  	v30 =	vld [tilespmem:s28+$0x7B30];
	v29 =	vbroadcast v2, $0x9;
	[tilespmem:s28+$0x7AC0] =	vst v3;
	v3 =	vmul.f32 v22, v16  }
0x8a: {  	v31 =	vmul.f32 v23, v16;
	[tilespmem:s28+$0x7AD0] =	vst v27;
	v32 =	vld [tilespmem:s28+$0x7B40]  }
0x8b: {  	v33 =	vld [tilespmem:s28+$0x7B50];
	[tilespmem:s28+$0x7AE0] =	vst v3;
	v3 =	vmul.f32 v25, v29  }
0x8c: {  	[tilespmem:s28+$0x7AF0] =	vst v31;
	v35 =	vld [tilespmem:s28+$0x7B60];
	v34 =	vmul.f32 v26, v29  }
0x8d: {  	v36 =	vld [tilespmem:s28+$0x7B70];
	[tilespmem:s28+$0x7B00] =	vst v3;
	v3 =	vmul.f32 v28, v29  }
0x8e: {  	v37 =	vmul.f32 v30, v29;
	v38 =	vld [tilespmem:s28+$0x7B80];
	[tilespmem:s28+$0x7B10] =	vst v34  }
0x8f: {  	v39 =	vld [tilespmem:s28+$0x7B90];
	[tilespmem:s28+$0x7B20] =	vst v3;
	v3 =	vmul.f32 v32, v29  }
0x90: {  	v40 =	vmul.f32 v33, v29;
	[tilespmem:s28+$0x7B30] =	vst v37;
	v41 =	vld [tilespmem:s28+$0x7BA0]  }
0x91: {  	v43 =	vld [tilespmem:s28+$0x7BB0];
	v42 =	vbroadcast v2, $0xA;
	[tilespmem:s28+$0x7B40] =	vst v3;
	v3 =	vmul.f32 v35, v29  }
0x92: {  	v44 =	vmul.f32 v36, v29;
	[tilespmem:s28+$0x7B50] =	vst v40;
	v45 =	vld [tilespmem:s28+$0x7BC0]  }
0x93: {  	v46 =	vld [tilespmem:s28+$0x7BD0];
	[tilespmem:s28+$0x7B60] =	vst v3;
	v3 =	vmul.f32 v38, v42  }
0x94: {  	[tilespmem:s28+$0x7B70] =	vst v44;
	v48 =	vld [tilespmem:s28+$0x7BE0];
	v47 =	vmul.f32 v39, v42  }
0x95: {  	v49 =	vld [tilespmem:s28+$0x7BF0];
	[tilespmem:s28+$0x7B80] =	vst v3;
	v3 =	vmul.f32 v41, v42  }
0x96: {  	v50 =	vmul.f32 v43, v42;
	v51 =	vld [tilespmem:s28+$0x7C00];
	[tilespmem:s28+$0x7B90] =	vst v47  }
0x97: {  	v52 =	vld [tilespmem:s28+$0x7C10];
	[tilespmem:s28+$0x7BA0] =	vst v3;
	v3 =	vmul.f32 v45, v42  }
0x98: {  	v53 =	vmul.f32 v46, v42;
	[tilespmem:s28+$0x7BB0] =	vst v50;
	v54 =	vld [tilespmem:s28+$0x7C20]  }
0x99: {  	v56 =	vld [tilespmem:s28+$0x7C30];
	v55 =	vbroadcast v2, $0xB;
	[tilespmem:s28+$0x7BC0] =	vst v3;
	v3 =	vmul.f32 v48, v42  }
0x9a: {  	v57 =	vmul.f32 v49, v42;
	[tilespmem:s28+$0x7BD0] =	vst v53;
	v58 =	vld [tilespmem:s28+$0x7C40]  }
0x9b: {  	v59 =	vld [tilespmem:s28+$0x7C50];
	[tilespmem:s28+$0x7BE0] =	vst v3;
	v3 =	vmul.f32 v51, v55  }
0x9c: {  	[tilespmem:s28+$0x7BF0] =	vst v57;
	v61 =	vld [tilespmem:s28+$0x7C60];
	v60 =	vmul.f32 v52, v55  }
0x9d: {  	v62 =	vld [tilespmem:s28+$0x7C70];
	[tilespmem:s28+$0x7C00] =	vst v3;
	v3 =	vmul.f32 v54, v55  }
0x9e: {  	v63 =	vmul.f32 v56, v55;
	v12 =	vld [tilespmem:s28+$0x7C80];
	[tilespmem:s28+$0x7C10] =	vst v60  }
0x9f: {  	v13 =	vld [tilespmem:s28+$0x7C90];
	[tilespmem:s28+$0x7C20] =	vst v3;
	v3 =	vmul.f32 v58, v55  }
0xa0: {  	v14 =	vmul.f32 v59, v55;
	[tilespmem:s28+$0x7C30] =	vst v63;
	v15 =	vld [tilespmem:s28+$0x7CA0]  }
0xa1: {  	v17 =	vld [tilespmem:s28+$0x7CB0];
	v16 =	vbroadcast v2, $0xC;
	[tilespmem:s28+$0x7C40] =	vst v3;
	v3 =	vmul.f32 v61, v55  }
0xa2: {  	v18 =	vmul.f32 v62, v55;
	[tilespmem:s28+$0x7C50] =	vst v14;
	v19 =	vld [tilespmem:s28+$0x7CC0]  }
0xa3: {  	v20 =	vld [tilespmem:s28+$0x7CD0];
	[tilespmem:s28+$0x7C60] =	vst v3;
	v3 =	vmul.f32 v12, v16  }
0xa4: {  	[tilespmem:s28+$0x7C70] =	vst v18;
	v22 =	vld [tilespmem:s28+$0x7CE0];
	v21 =	vmul.f32 v13, v16  }
0xa5: {  	v23 =	vld [tilespmem:s28+$0x7CF0];
	[tilespmem:s28+$0x7C80] =	vst v3;
	v3 =	vmul.f32 v15, v16  }
0xa6: {  	v24 =	vmul.f32 v17, v16;
	v25 =	vld [tilespmem:s28+$0x7D00];
	[tilespmem:s28+$0x7C90] =	vst v21  }
0xa7: {  	v26 =	vld [tilespmem:s28+$0x7D10];
	[tilespmem:s28+$0x7CA0] =	vst v3;
	v3 =	vmul.f32 v19, v16  }
0xa8: {  	v27 =	vmul.f32 v20, v16;
	[tilespmem:s28+$0x7CB0] =	vst v24;
	v28 =	vld [tilespmem:s28+$0x7D20]  }
0xa9: {  	v30 =	vld [tilespmem:s28+$0x7D30];
	v29 =	vbroadcast v2, $0xD;
	[tilespmem:s28+$0x7CC0] =	vst v3;
	v3 =	vmul.f32 v22, v16  }
0xaa: {  	v31 =	vmul.f32 v23, v16;
	[tilespmem:s28+$0x7CD0] =	vst v27;
	v32 =	vld [tilespmem:s28+$0x7D40]  }
0xab: {  	v33 =	vld [tilespmem:s28+$0x7D50];
	[tilespmem:s28+$0x7CE0] =	vst v3;
	v3 =	vmul.f32 v25, v29  }
0xac: {  	[tilespmem:s28+$0x7CF0] =	vst v31;
	v35 =	vld [tilespmem:s28+$0x7D60];
	v34 =	vmul.f32 v26, v29  }
0xad: {  	v36 =	vld [tilespmem:s28+$0x7D70];
	[tilespmem:s28+$0x7D00] =	vst v3;
	v3 =	vmul.f32 v28, v29  }
0xae: {  	v37 =	vmul.f32 v30, v29;
	v38 =	vld [tilespmem:s28+$0x7D80];
	[tilespmem:s28+$0x7D10] =	vst v34  }
0xaf: {  	v39 =	vld [tilespmem:s28+$0x7D90];
	[tilespmem:s28+$0x7D20] =	vst v3;
	v3 =	vmul.f32 v32, v29  }
0xb0: {  	v40 =	vmul.f32 v33, v29;
	[tilespmem:s28+$0x7D30] =	vst v37;
	v41 =	vld [tilespmem:s28+$0x7DA0]  }
0xb1: {  	v43 =	vld [tilespmem:s28+$0x7DB0];
	v42 =	vbroadcast v2, $0xE;
	[tilespmem:s28+$0x7D40] =	vst v3;
	v3 =	vmul.f32 v35, v29  }
0xb2: {  	v44 =	vmul.f32 v36, v29;
	[tilespmem:s28+$0x7D50] =	vst v40;
	v45 =	vld [tilespmem:s28+$0x7DC0]  }
0xb3: {  	v46 =	vld [tilespmem:s28+$0x7DD0];
	[tilespmem:s28+$0x7D60] =	vst v3;
	v3 =	vmul.f32 v38, v42  }
0xb4: {  	[tilespmem:s28+$0x7D70] =	vst v44;
	v48 =	vld [tilespmem:s28+$0x7DE0];
	v47 =	vmul.f32 v39, v42  }
0xb5: {  	v49 =	vld [tilespmem:s28+$0x7DF0];
	[tilespmem:s28+$0x7D80] =	vst v3;
	v3 =	vmul.f32 v41, v42  }
0xb6: {  	v50 =	vmul.f32 v43, v42;
	v51 =	vld [tilespmem:s28+$0x7E00];
	[tilespmem:s28+$0x7D90] =	vst v47  }
0xb7: {  	v52 =	vld [tilespmem:s28+$0x7E10];
	[tilespmem:s28+$0x7DA0] =	vst v3;
	v3 =	vmul.f32 v45, v42  }
0xb8: {  	v53 =	vmul.f32 v46, v42;
	[tilespmem:s28+$0x7DB0] =	vst v50;
	v54 =	vld [tilespmem:s28+$0x7E20]  }
0xb9: {  	v2 =	vbroadcast v2, $0xF;
	v58 =	vld [tilespmem:s28+$0x7E50];
	[tilespmem:s28+$0x7DC0] =	vst v3;
	v3 =	vmul.f32 v48, v42  }
0xba: {  	v57 =	vld [tilespmem:s28+$0x7E40];
	v56 =	vmul.f32 v49, v42;
	[tilespmem:s28+$0x7DD0] =	vst v53  }
0xbb: {  	v55 =	vld [tilespmem:s28+$0x7E30];
	[tilespmem:s28+$0x7DE0] =	vst v3;
	v3 =	vmul.f32 v51, v2  }
0xbc: {  	v60 =	vld [tilespmem:s28+$0x7E60];
	v59 =	vmul.f32 v52, v2;
	[tilespmem:s28+$0x7DF0] =	vst v56  }
0xbd: {  	v61 =	vld [tilespmem:s28+$0x7E70];
	[tilespmem:s28+$0x7E00] =	vst v3;
	v3 =	vmul.f32 v54, v2  }
0xbe: {  	[tilespmem:s28+$0x7E10] =	vst v59;
	v63 =	vmul.f32 v58, v2  }
0xbf: {  	p1 =	sne.s32 s26, $0x7;
	[tilespmem:s28+$0x7E20] =	vst v3;
	v3 =	vmul.f32 v57, v2  }
.Ltmp1:
0xc0: {  	v62 =	vmul.f32 v55, v2;
	[tilespmem:s28+$0x7E50] =	vst v63;
	(pc) =	sbr.rel @p1 .LBB2_5-.Ltmp1, $4  }
0xc1: {  	[tilespmem:s28+$0x7E40] =	vst v3;
	v3 =	vmul.f32 v60, v2  }
0xc2: {  	[tilespmem:s28+$0x7E30] =	vst v62;
	v2 =	vmul.f32 v61, v2  }
0xc3: {  	[tilespmem:s28+$0x7E60] =	vst v3  }
0xc4: {  	s26 =	sadd.s32 $0x1, s26;
	[tilespmem:s28+$0x7E70] =	vst v2  }
0xc5: {  	s24 =	sadd.s32 $0x1, s24  }
0xc6: {  	p1 =	sne.s32 s24, $0x4F  }
.Ltmp2:
0xc7: {  	s25 =	sadd.s32 $0x2780, s25;
	(pc) =	sbr.rel @p1 .LBB2_4-.Ltmp2, $4  }
0xc8: {  	[spmem:s3] =	stream.indirect.scatter.add.f32 [tilespmem:s21], [sflag:$0x2], $0x80, s25, s13, $0xb8;
	[tilespmem:$0x1EF00] =	vst v63  }
0xc9: {  	_ =	swait.ge [sflag:s15], $0x4000  }
0xca: {  	[sflag:s15] =	ssyncset.done $0x0  }
0xcb: {  	[sflag:s15] =	ssyncadd.s32 $0xFFFFC000  }
0xcc: {  	[bflag:$0x0] =	sbarrier.arrive $0xFFFF  }
0xcd: {  	[hbm:s10], [sflag:s18] =	dma.local [spmem:s19], $0x2700  }
0xce: {  	s23 =	sadd.s32 $0x1, s23;
	_ =	swait.ge [sflag:s15], $0x2700  }
0xcf: {  	p1 =	sne.s32 s23, s12;
	[sflag:s15] =	ssyncset.done $0x0  }
.Ltmp3:
0xd0: {  	s24 =	simm.s32 @!p0 $0x2;
	[sflag:s15] =	ssyncadd.s32 $0xFFFFD900;
	(pc) =	sbr.rel @p1 .LBB2_1-.Ltmp3, $4  }
0xd1: {  	[hbm:s11], [sflag:s18] =	dma.local @!p0 [spmem:s20], $0x100  }
0xd2: {  	_ =	swait.ge @!p0 [sflag:s24], $0x100  }
0xd3: {  	[sflag:s24] =	ssyncset.done @!p0 $0x0  }
0xd4: {  	[sflag:s24] =	ssyncadd.s32 @!p0 $0xFFFFFF00  }
0xd5: {  	_ =	sfence.sel $0x180000  }
0xd6: {  	[bflag:$0x0] =	sbarrier.arrive $0xFFFF  }
0xd7: {  	p0 =	sne.s32 s2, $0x0;
	_ =	strace $0x90000047  }
0xd8: {  	s0 =	sadd.s32 @!p0 $0x100000, s0;
	[bflag:$0x2] =	sbarrier.arrive $0xFFFF  }
0xd9: {  	[sflag:s0] =	ssyncadd.tile.s32 @!p0 $0x1;
	_ =	shalt  }
.Lfunc_end2:
_tile_overlayer_lowered:
.L_overlay_start_2:
0xda: {  	(tag) =	ssettag $0x2  }
0xdb: {  	s0 =	rddreg [dreg:$0x0];
	s2 =	stileid.u32  }
0xdc: {  	s1 =	rddreg [dreg:$0x1];
	p0 =	sne.s32 s2, $0x0  }
0xdd: {  	s3 =	rddreg [dreg:$0x2];
	[bflag:$0x3] =	sbarrier.arrive $0xFFFF;
	s2 =	simm.s32 @!p0 $0x1C02  }
0xde: {  	[timem:s3], [sflag:s2] =	dma.local @!p0 [hbm:s0], s1  }
0xdf: {  	s0 =	simm.s32 @!p0 $0x2  }
0xe0: {  	_ =	swait.ge @!p0 [sflag:s0], s1  }
0xe1: {  	s1 =	ssub.s32 @!p0 $0x0, s1;
	[sflag:s0] =	ssyncset.done @!p0 $0x0  }
0xe2: {  	[sflag:s0] =	ssyncadd.s32 @!p0 s1  }
0xe3: {  	[bflag:$0x3] =	sbarrier.arrive $0xFFFF  }
0xe4: {  	_ =	shalt  }

</sc_bundles>
